<compile_context>
chip_gen: v7x
topology: tpu7x:2x2x1
jax: 0.10.2.dev20260603
libtpu: 0.0.44.dev20260713+nightly
codegen_flags: <defaults>
</compile_context>

<pallas_src>
import functools

import jax
import jax.numpy as jnp
from jax import lax
from jax.experimental import pallas as pl
from jax.experimental.pallas import tpu as pltpu
from jax.experimental.pallas import tpu_sc as plsc

N = 262144
R = 64
F_DIM = 27
DC = 128
DF = 300
DFP = 304

_INFO = plsc.get_sparse_core_info()
NC, NS, L = _INFO.num_cores, _INFO.num_subcores, _INFO.num_lanes
NW = NC * NS
PTS_PER_W = N // NW
CHUNK = 128
NCHUNKS = PTS_PER_W // CHUNK
GROUPS = CHUNK // L

_mesh = plsc.VectorSubcoreMesh(core_axis_name="c", subcore_axis_name="s")


@functools.partial(
    pl.kernel,
    out_type=(
        jax.ShapeDtypeStruct((2 * R, N), jnp.float32),
        jax.ShapeDtypeStruct((N,), jnp.float32),
    ),
    mesh=_mesh,
    compiler_params=pltpu.CompilerParams(needs_layout_passes=False),
    scratch_types=[
        pltpu.VMEM((R * DC,), jnp.int32),
        pltpu.VMEM((R * DC,), jnp.int32),
        pltpu.VMEM((R * DC,), jnp.int32),
        pltpu.VMEM((R * DFP,), jnp.int32),
        pltpu.VMEM((R * DFP,), jnp.int32),
        pltpu.VMEM((R * DFP,), jnp.int32),
        pltpu.VMEM((R * DC,), jnp.float32),
        pltpu.VMEM((R * DC,), jnp.float32),
        pltpu.VMEM((R * DC,), jnp.float32),
        pltpu.VMEM((CHUNK,), jnp.float32),
        pltpu.VMEM((CHUNK,), jnp.float32),
        pltpu.VMEM((CHUNK,), jnp.float32),
        pltpu.VMEM((2 * R, CHUNK), jnp.float32),
        pltpu.VMEM((CHUNK,), jnp.float32),
    ],
)
def _sc_features(xc_hbm, yc_hbm, zc_hbm,
                 c0h, c1h, c2h, f0h, f1h, f2h, u0h, u1h, u2h,
                 x_hbm, un_hbm,
                 c0v, c1v, c2v, f0v, f1v, f2v, u0v, u1v, u2v,
                 xcv, ycv, zcv, xv, unv):
    wid = lax.axis_index("s") * NC + lax.axis_index("c")
    base = wid * PTS_PER_W

    pltpu.sync_copy(c0h, c0v)
    pltpu.sync_copy(c1h, c1v)
    pltpu.sync_copy(c2h, c2v)
    pltpu.sync_copy(f0h, f0v)
    pltpu.sync_copy(f1h, f1v)
    pltpu.sync_copy(f2h, f2v)
    pltpu.sync_copy(u0h, u0v)
    pltpu.sync_copy(u1h, u1v)
    pltpu.sync_copy(u2h, u2v)

    himask = jnp.full((L,), -65536, jnp.int32)

    def idx_weights(t, d):
        pix = t * jnp.float32(d - 1)
        i0 = jnp.clip(pix.astype(jnp.int32), 0, d - 2)
        w1 = pix - i0.astype(jnp.float32)
        return i0, w1

    def pair_interp(tab, i0, w1):
        g = plsc.load_gather(tab, [i0])
        v0 = plsc.bitcast(jnp.left_shift(g, 16), jnp.float32)
        v1 = plsc.bitcast(jnp.bitwise_and(g, himask), jnp.float32)
        return v0 + w1 * (v1 - v0)

    def interp(tab, i0, i1, w1):
        v0 = plsc.load_gather(tab, [i0])
        v1 = plsc.load_gather(tab, [i1])
        return v0 + w1 * (v1 - v0)

    def chunk_body(ci, carry):
        off = base + ci * CHUNK
        pltpu.sync_copy(xc_hbm.at[pl.ds(off, CHUNK)], xcv)
        pltpu.sync_copy(yc_hbm.at[pl.ds(off, CHUNK)], ycv)
        pltpu.sync_copy(zc_hbm.at[pl.ds(off, CHUNK)], zcv)

        def group_body(g, carry2):
            s = g * L
            xx = xcv[pl.ds(s, L)]
            yy = ycv[pl.ds(s, L)]
            zz = zcv[pl.ds(s, L)]
            ax0, awx = idx_weights(xx, DC)
            ay0, awy = idx_weights(yy, DC)
            az0, awz = idx_weights(zz, DC)
            bx0, bwx = idx_weights(xx, DF)
            by0, bwy = idx_weights(yy, DF)
            bz0, bwz = idx_weights(zz, DF)

            def r_body(r, carry3):
                (uacc, jx, jy, jz, kx, ky, kz) = carry3
                fc = (pair_interp(c0v, jx, awx)
                      * pair_interp(c1v, jy, awy)
                      * pair_interp(c2v, jz, awz))
                xv[r, pl.ds(s, L)] = fc
                ff = (pair_interp(f0v, kx, bwx)
                      * pair_interp(f1v, ky, bwy)
                      * pair_interp(f2v, kz, bwz))
                xv[r + R, pl.ds(s, L)] = ff
                uu = (interp(u0v, jx, jx + 1, awx)
                      * interp(u1v, jy, jy + 1, awy)
                      * interp(u2v, jz, jz + 1, awz))
                return (uacc + uu,
                        jx + DC, jy + DC, jz + DC,
                        kx + DFP, ky + DFP, kz + DFP)

            init = (jnp.zeros((L,), jnp.float32),
                    ax0, ay0, az0, bx0, by0, bz0)
            out = lax.fori_loop(0, R, r_body, init, unroll=2)
            unv[pl.ds(s, L)] = out[0]
            return carry2

        lax.fori_loop(0, GROUPS, group_body, 0, unroll=False)
        pltpu.sync_copy(xv, x_hbm.at[:, pl.ds(off, CHUNK)])
        pltpu.sync_copy(unv, un_hbm.at[pl.ds(off, CHUNK)])
        return carry

    lax.fori_loop(0, NCHUNKS, chunk_body, 0, unroll=False)


BN = 2048


def _tc_project_body(x_ref, w2_ref, cat_ref):
    cat_ref[...] = lax.dot_general(x_ref[...], w2_ref[...],
                                   (((0,), (0,)), ((), ())),
                                   preferred_element_type=jnp.float32)


_tc_project = pl.pallas_call(
    _tc_project_body,
    grid=(N // BN,),
    in_specs=[
        pl.BlockSpec((2 * R, BN), lambda i: (0, i)),
        pl.BlockSpec((2 * R, 2 * F_DIM), lambda i: (0, 0)),
    ],
    out_specs=pl.BlockSpec((BN, 2 * F_DIM), lambda i: (i, 0)),
    out_shape=jax.ShapeDtypeStruct((N, 2 * F_DIM), jnp.float32),
)


def _pack_pairs(tab, dpad):
    b = lax.bitcast_convert_type(tab.astype(jnp.bfloat16), jnp.uint16)
    b = b.astype(jnp.uint32)
    nxt = jnp.concatenate([b[:, 1:], b[:, -1:]], axis=1)
    packed = lax.bitcast_convert_type(b | (nxt << 16), jnp.int32)
    d = tab.shape[1]
    if dpad > d:
        packed = jnp.pad(packed, ((0, 0), (0, dpad - d)))
    return packed.reshape(-1)


@jax.jit
def kernel(xyz_sampled, c0, c1, c2, f0, f1, f2, u0, u1, u2, Wc, Wf):
    x, un = _sc_features(
        xyz_sampled[:, 0], xyz_sampled[:, 1], xyz_sampled[:, 2],
        _pack_pairs(c0, DC), _pack_pairs(c1, DC), _pack_pairs(c2, DC),
        _pack_pairs(f0, DFP), _pack_pairs(f1, DFP), _pack_pairs(f2, DFP),
        u0.reshape(-1), u1.reshape(-1), u2.reshape(-1),
    )
    w2 = jnp.zeros((2 * R, 2 * F_DIM), jnp.float32)
    w2 = w2.at[:R, :F_DIM].set(Wc.T).at[R:, F_DIM:].set(Wf.T)
    cat = _tc_project(x, w2)
    return cat, un[:, None]

# --- scband reference (transcript-rebuilt; emitter-appended) ---
"""Pipeline reference for scband-tensor-cp-63763084476735 (READ-ONLY COPY).

The authoritative reference and input builder live on the scoring server;
editing this copy changes nothing except your own understanding.
"""

import jax, jax.numpy as jnp
import numpy as np

N = 262144
R = 64
F_DIM = 27
DC = 128
DF = 300


def _line_sample(line, coords):
    # Emulates F.grid_sample on a (1,R,D,1) tensor with grid (1,N,1,2) where x-coord=0,
    # align_corners=True, zeros padding. Reduces to 1D linear interp along the D axis.
    D = line.shape[1]
    pix = (coords + 1.0) * 0.5 * (D - 1)
    i0 = jnp.floor(pix)
    w1 = pix - i0
    w0 = 1.0 - w1
    i0i = i0.astype(jnp.int32)
    i1i = i0i + 1
    in0 = (i0i >= 0) & (i0i <= D - 1)
    in1 = (i1i >= 0) & (i1i <= D - 1)
    v0 = jnp.take(line, jnp.clip(i0i, 0, D - 1), axis=1) * jnp.where(in0, w0, 0.0)[None, :]
    v1 = jnp.take(line, jnp.clip(i1i, 0, D - 1), axis=1) * jnp.where(in1, w1, 0.0)[None, :]
    return v0 + v1  # (R, N)


def _compute_feature(x, l0, l1, l2):
    p = _line_sample(l0, x[:, 0])
    p = p * _line_sample(l1, x[:, 1])
    p = p * _line_sample(l2, x[:, 2])
    return p.T  # (N, R)


def setup_inputs(seed: int = 0) -> dict:
    key = jax.random.key(seed)
    ks = jax.random.split(key, 12)
    scale_u = (3.0 / R) ** (1.0 / 3.0)
    bound = 1.0 / np.sqrt(R)
    inp = {
        "xyz_sampled": jax.random.uniform(ks[0], (N, 3), dtype=jnp.float32),
        "c0": 0.2 * jax.random.normal(ks[1], (R, DC), dtype=jnp.float32),
        "c1": 0.2 * jax.random.normal(ks[2], (R, DC), dtype=jnp.float32),
        "c2": 0.2 * jax.random.normal(ks[3], (R, DC), dtype=jnp.float32),
        "f0": 0.2 * jax.random.normal(ks[4], (R, DF), dtype=jnp.float32),
        "f1": 0.2 * jax.random.normal(ks[5], (R, DF), dtype=jnp.float32),
        "f2": 0.2 * jax.random.normal(ks[6], (R, DF), dtype=jnp.float32),
        "u0": scale_u * jnp.ones((R, DC), dtype=jnp.float32),
        "u1": scale_u * jnp.ones((R, DC), dtype=jnp.float32),
        "u2": scale_u * jnp.ones((R, DC), dtype=jnp.float32),
        "Wc": jax.random.uniform(ks[7], (F_DIM, R), dtype=jnp.float32, minval=-bound, maxval=bound),
        "Wf": jax.random.uniform(ks[8], (F_DIM, R), dtype=jnp.float32, minval=-bound, maxval=bound),
    }
    return inp


def reference(xyz_sampled, c0, c1, c2, f0, f1, f2, u0, u1, u2, Wc, Wf):
    x = (xyz_sampled * 2.0 - 1.0).astype(jnp.float32)
    x = jax.lax.stop_gradient(x)  # torch detaches the sampling coordinates
    coarse = _compute_feature(x, c0, c1, c2) @ Wc.T
    fine = _compute_feature(x, f0, f1, f2) @ Wf.T
    cat_feature = jnp.concatenate([coarse, fine], axis=-1)
    uncertainty = _compute_feature(x, u0, u1, u2).sum(-1)[:, None]
    return (cat_feature, uncertainty)

if __name__ == "__main__":
    import jax
    _d = setup_inputs()
    print(jax.jit(kernel)(*tuple(_d.values())))

</pallas_src>

<mosaic_0001>
#map = affine_map<(d0, d1) -> (0)>
#map1 = affine_map<(d0, d1) -> (0, 0)>
module attributes {stable_mosaic.version = 14 : i64} {
  func.func @_sc_features(%arg0: i32, %arg1: i32, %arg2: memref<262144xf32, #tpu.memory_space<hbm>>, %arg3: memref<262144xf32, #tpu.memory_space<hbm>>, %arg4: memref<262144xf32, #tpu.memory_space<hbm>>, %arg5: memref<8192xi32, #tpu.memory_space<hbm>>, %arg6: memref<8192xi32, #tpu.memory_space<hbm>>, %arg7: memref<8192xi32, #tpu.memory_space<hbm>>, %arg8: memref<19456xi32, #tpu.memory_space<hbm>>, %arg9: memref<19456xi32, #tpu.memory_space<hbm>>, %arg10: memref<19456xi32, #tpu.memory_space<hbm>>, %arg11: memref<8192xf32, #tpu.memory_space<hbm>>, %arg12: memref<8192xf32, #tpu.memory_space<hbm>>, %arg13: memref<8192xf32, #tpu.memory_space<hbm>>, %arg14: memref<128x262144xf32, #tpu.memory_space<hbm>>, %arg15: memref<262144xf32, #tpu.memory_space<hbm>>, %arg16: memref<8192xi32, #tpu.memory_space<vmem>>, %arg17: memref<8192xi32, #tpu.memory_space<vmem>>, %arg18: memref<8192xi32, #tpu.memory_space<vmem>>, %arg19: memref<19456xi32, #tpu.memory_space<vmem>>, %arg20: memref<19456xi32, #tpu.memory_space<vmem>>, %arg21: memref<19456xi32, #tpu.memory_space<vmem>>, %arg22: memref<8192xf32, #tpu.memory_space<vmem>>, %arg23: memref<8192xf32, #tpu.memory_space<vmem>>, %arg24: memref<8192xf32, #tpu.memory_space<vmem>>, %arg25: memref<128xf32, #tpu.memory_space<vmem>>, %arg26: memref<128xf32, #tpu.memory_space<vmem>>, %arg27: memref<128xf32, #tpu.memory_space<vmem>>, %arg28: memref<128x128xf32, #tpu.memory_space<vmem>>, %arg29: memref<128xf32, #tpu.memory_space<vmem>>) attributes {dimension_semantics = [#tpu.dimension_semantics<core_parallel>, #tpu.dimension_semantics<subcore_parallel>], iteration_bounds = array<i64: 2, 16>, scalar_prefetch = 0 : i64, scratch_operands = 14 : i64, tpu.core_type = #tpu.core_type<sc_vector_subcore>, window_params = [{transform_indices = #map}, {transform_indices = #map}, {transform_indices = #map}, {transform_indices = #map}, {transform_indices = #map}, {transform_indices = #map}, {transform_indices = #map}, {transform_indices = #map}, {transform_indices = #map}, {transform_indices = #map}, {transform_indices = #map}, {transform_indices = #map}, {transform_indices = #map1}, {transform_indices = #map}]} {
    %mul3A = arith.constant 2 : i32
    %mul3A_0 = arith.muli %arg1, %mul3A : i32
    %add3A = arith.addi %mul3A_0, %arg0 : i32
    %mul3A_1 = arith.constant 8192 : i32
    %mul3A_2 = arith.muli %add3A, %mul3A_1 : i32
    "tpu.region"() ({
      %run_scoped3A = tpu.sem_alloc : memref<!tpu.dma_semaphore, #tpu.memory_space<semaphore_mem>>
      tpu.enqueue_dma source(%arg5 : memref<8192xi32, #tpu.memory_space<hbm>>) target(%arg16 : memref<8192xi32, #tpu.memory_space<vmem>>) target_semaphore(%run_scoped3A : memref<!tpu.dma_semaphore, #tpu.memory_space<semaphore_mem>>)
      tpu.wait_dma2 semaphore(%run_scoped3A : memref<!tpu.dma_semaphore, #tpu.memory_space<semaphore_mem>>) src(%arg5 : memref<8192xi32, #tpu.memory_space<hbm>>) dst(%arg16 : memref<8192xi32, #tpu.memory_space<vmem>>)
      tpu.yield
    }) : () -> ()
    "tpu.region"() ({
      %run_scoped3A = tpu.sem_alloc : memref<!tpu.dma_semaphore, #tpu.memory_space<semaphore_mem>>
      tpu.enqueue_dma source(%arg6 : memref<8192xi32, #tpu.memory_space<hbm>>) target(%arg17 : memref<8192xi32, #tpu.memory_space<vmem>>) target_semaphore(%run_scoped3A : memref<!tpu.dma_semaphore, #tpu.memory_space<semaphore_mem>>)
      tpu.wait_dma2 semaphore(%run_scoped3A : memref<!tpu.dma_semaphore, #tpu.memory_space<semaphore_mem>>) src(%arg6 : memref<8192xi32, #tpu.memory_space<hbm>>) dst(%arg17 : memref<8192xi32, #tpu.memory_space<vmem>>)
      tpu.yield
    }) : () -> ()
    "tpu.region"() ({
      %run_scoped3A = tpu.sem_alloc : memref<!tpu.dma_semaphore, #tpu.memory_space<semaphore_mem>>
      tpu.enqueue_dma source(%arg7 : memref<8192xi32, #tpu.memory_space<hbm>>) target(%arg18 : memref<8192xi32, #tpu.memory_space<vmem>>) target_semaphore(%run_scoped3A : memref<!tpu.dma_semaphore, #tpu.memory_space<semaphore_mem>>)
      tpu.wait_dma2 semaphore(%run_scoped3A : memref<!tpu.dma_semaphore, #tpu.memory_space<semaphore_mem>>) src(%arg7 : memref<8192xi32, #tpu.memory_space<hbm>>) dst(%arg18 : memref<8192xi32, #tpu.memory_space<vmem>>)
      tpu.yield
    }) : () -> ()
    "tpu.region"() ({
      %run_scoped3A = tpu.sem_alloc : memref<!tpu.dma_semaphore, #tpu.memory_space<semaphore_mem>>
      tpu.enqueue_dma source(%arg8 : memref<19456xi32, #tpu.memory_space<hbm>>) target(%arg19 : memref<19456xi32, #tpu.memory_space<vmem>>) target_semaphore(%run_scoped3A : memref<!tpu.dma_semaphore, #tpu.memory_space<semaphore_mem>>)
      tpu.wait_dma2 semaphore(%run_scoped3A : memref<!tpu.dma_semaphore, #tpu.memory_space<semaphore_mem>>) src(%arg8 : memref<19456xi32, #tpu.memory_space<hbm>>) dst(%arg19 : memref<19456xi32, #tpu.memory_space<vmem>>)
      tpu.yield
    }) : () -> ()
    "tpu.region"() ({
      %run_scoped3A = tpu.sem_alloc : memref<!tpu.dma_semaphore, #tpu.memory_space<semaphore_mem>>
      tpu.enqueue_dma source(%arg9 : memref<19456xi32, #tpu.memory_space<hbm>>) target(%arg20 : memref<19456xi32, #tpu.memory_space<vmem>>) target_semaphore(%run_scoped3A : memref<!tpu.dma_semaphore, #tpu.memory_space<semaphore_mem>>)
      tpu.wait_dma2 semaphore(%run_scoped3A : memref<!tpu.dma_semaphore, #tpu.memory_space<semaphore_mem>>) src(%arg9 : memref<19456xi32, #tpu.memory_space<hbm>>) dst(%arg20 : memref<19456xi32, #tpu.memory_space<vmem>>)
      tpu.yield
    }) : () -> ()
    "tpu.region"() ({
      %run_scoped3A = tpu.sem_alloc : memref<!tpu.dma_semaphore, #tpu.memory_space<semaphore_mem>>
      tpu.enqueue_dma source(%arg10 : memref<19456xi32, #tpu.memory_space<hbm>>) target(%arg21 : memref<19456xi32, #tpu.memory_space<vmem>>) target_semaphore(%run_scoped3A : memref<!tpu.dma_semaphore, #tpu.memory_space<semaphore_mem>>)
      tpu.wait_dma2 semaphore(%run_scoped3A : memref<!tpu.dma_semaphore, #tpu.memory_space<semaphore_mem>>) src(%arg10 : memref<19456xi32, #tpu.memory_space<hbm>>) dst(%arg21 : memref<19456xi32, #tpu.memory_space<vmem>>)
      tpu.yield
    }) : () -> ()
    "tpu.region"() ({
      %run_scoped3A = tpu.sem_alloc : memref<!tpu.dma_semaphore, #tpu.memory_space<semaphore_mem>>
      tpu.enqueue_dma source(%arg11 : memref<8192xf32, #tpu.memory_space<hbm>>) target(%arg22 : memref<8192xf32, #tpu.memory_space<vmem>>) target_semaphore(%run_scoped3A : memref<!tpu.dma_semaphore, #tpu.memory_space<semaphore_mem>>)
      tpu.wait_dma2 semaphore(%run_scoped3A : memref<!tpu.dma_semaphore, #tpu.memory_space<semaphore_mem>>) src(%arg11 : memref<8192xf32, #tpu.memory_space<hbm>>) dst(%arg22 : memref<8192xf32, #tpu.memory_space<vmem>>)
      tpu.yield
    }) : () -> ()
    "tpu.region"() ({
      %run_scoped3A = tpu.sem_alloc : memref<!tpu.dma_semaphore, #tpu.memory_space<semaphore_mem>>
      tpu.enqueue_dma source(%arg12 : memref<8192xf32, #tpu.memory_space<hbm>>) target(%arg23 : memref<8192xf32, #tpu.memory_space<vmem>>) target_semaphore(%run_scoped3A : memref<!tpu.dma_semaphore, #tpu.memory_space<semaphore_mem>>)
      tpu.wait_dma2 semaphore(%run_scoped3A : memref<!tpu.dma_semaphore, #tpu.memory_space<semaphore_mem>>) src(%arg12 : memref<8192xf32, #tpu.memory_space<hbm>>) dst(%arg23 : memref<8192xf32, #tpu.memory_space<vmem>>)
      tpu.yield
    }) : () -> ()
    "tpu.region"() ({
      %run_scoped3A = tpu.sem_alloc : memref<!tpu.dma_semaphore, #tpu.memory_space<semaphore_mem>>
      tpu.enqueue_dma source(%arg13 : memref<8192xf32, #tpu.memory_space<hbm>>) target(%arg24 : memref<8192xf32, #tpu.memory_space<vmem>>) target_semaphore(%run_scoped3A : memref<!tpu.dma_semaphore, #tpu.memory_space<semaphore_mem>>)
      tpu.wait_dma2 semaphore(%run_scoped3A : memref<!tpu.dma_semaphore, #tpu.memory_space<semaphore_mem>>) src(%arg13 : memref<8192xf32, #tpu.memory_space<hbm>>) dst(%arg24 : memref<8192xf32, #tpu.memory_space<vmem>>)
      tpu.yield
    }) : () -> ()
    %broadcast_in_dim3A = arith.constant -65536 : i32
    %broadcast_in_dim3A_3 = vector.broadcast %broadcast_in_dim3A : i32 to vector<16xi32>
    %scan3A = arith.constant 0 : i32
    %scan3A_4 = arith.constant 0 : i32
    %scan3A_5 = arith.constant 64 : i32
    %scan3A_6 = arith.addi %scan3A_4, %scan3A_5 : i32
    %scan3A_7 = arith.constant 1 : i32
    scf.for %scan3A_9 = %scan3A_4 to %scan3A_6 step %scan3A_7  : i32 {
      %mul3A_10 = arith.constant 128 : i32
      %mul3A_11 = arith.muli %scan3A_9, %mul3A_10 : i32
      %add3A_12 = arith.addi %mul3A_2, %mul3A_11 : i32
      "tpu.region"() ({
        %run_scoped3A = tpu.sem_alloc : memref<!tpu.dma_semaphore, #tpu.memory_space<semaphore_mem>>
        %dma_start3A = tpu.memref_slice %arg2[%add3A_12] : memref<262144xf32, #tpu.memory_space<hbm>> -> memref<128xf32, #tpu.memory_space<hbm>>
        %dma_start3A_19 = tpu.memref_slice %arg2[%add3A_12] : memref<262144xf32, #tpu.memory_space<hbm>> -> memref<128xf32, #tpu.memory_space<hbm>>
        tpu.enqueue_dma source(%dma_start3A_19 : memref<128xf32, #tpu.memory_space<hbm>>) target(%arg25 : memref<128xf32, #tpu.memory_space<vmem>>) target_semaphore(%run_scoped3A : memref<!tpu.dma_semaphore, #tpu.memory_space<semaphore_mem>>)
        %dma_wait3A = tpu.memref_slice %arg2[%add3A_12] : memref<262144xf32, #tpu.memory_space<hbm>> -> memref<128xf32, #tpu.memory_space<hbm>>
        %dma_wait3A_20 = tpu.memref_slice %arg2[%add3A_12] : memref<262144xf32, #tpu.memory_space<hbm>> -> memref<128xf32, #tpu.memory_space<hbm>>
        tpu.wait_dma2 semaphore(%run_scoped3A : memref<!tpu.dma_semaphore, #tpu.memory_space<semaphore_mem>>) src(%dma_wait3A_20 : memref<128xf32, #tpu.memory_space<hbm>>) dst(%arg25 : memref<128xf32, #tpu.memory_space<vmem>>)
        tpu.yield
      }) : () -> ()
      "tpu.region"() ({
        %run_scoped3A = tpu.sem_alloc : memref<!tpu.dma_semaphore, #tpu.memory_space<semaphore_mem>>
        %dma_start3A = tpu.memref_slice %arg3[%add3A_12] : memref<262144xf32, #tpu.memory_space<hbm>> -> memref<128xf32, #tpu.memory_space<hbm>>
        %dma_start3A_19 = tpu.memref_slice %arg3[%add3A_12] : memref<262144xf32, #tpu.memory_space<hbm>> -> memref<128xf32, #tpu.memory_space<hbm>>
        tpu.enqueue_dma source(%dma_start3A_19 : memref<128xf32, #tpu.memory_space<hbm>>) target(%arg26 : memref<128xf32, #tpu.memory_space<vmem>>) target_semaphore(%run_scoped3A : memref<!tpu.dma_semaphore, #tpu.memory_space<semaphore_mem>>)
        %dma_wait3A = tpu.memref_slice %arg3[%add3A_12] : memref<262144xf32, #tpu.memory_space<hbm>> -> memref<128xf32, #tpu.memory_space<hbm>>
        %dma_wait3A_20 = tpu.memref_slice %arg3[%add3A_12] : memref<262144xf32, #tpu.memory_space<hbm>> -> memref<128xf32, #tpu.memory_space<hbm>>
        tpu.wait_dma2 semaphore(%run_scoped3A : memref<!tpu.dma_semaphore, #tpu.memory_space<semaphore_mem>>) src(%dma_wait3A_20 : memref<128xf32, #tpu.memory_space<hbm>>) dst(%arg26 : memref<128xf32, #tpu.memory_space<vmem>>)
        tpu.yield
      }) : () -> ()
      "tpu.region"() ({
        %run_scoped3A = tpu.sem_alloc : memref<!tpu.dma_semaphore, #tpu.memory_space<semaphore_mem>>
        %dma_start3A = tpu.memref_slice %arg4[%add3A_12] : memref<262144xf32, #tpu.memory_space<hbm>> -> memref<128xf32, #tpu.memory_space<hbm>>
        %dma_start3A_19 = tpu.memref_slice %arg4[%add3A_12] : memref<262144xf32, #tpu.memory_space<hbm>> -> memref<128xf32, #tpu.memory_space<hbm>>
        tpu.enqueue_dma source(%dma_start3A_19 : memref<128xf32, #tpu.memory_space<hbm>>) target(%arg27 : memref<128xf32, #tpu.memory_space<vmem>>) target_semaphore(%run_scoped3A : memref<!tpu.dma_semaphore, #tpu.memory_space<semaphore_mem>>)
        %dma_wait3A = tpu.memref_slice %arg4[%add3A_12] : memref<262144xf32, #tpu.memory_space<hbm>> -> memref<128xf32, #tpu.memory_space<hbm>>
        %dma_wait3A_20 = tpu.memref_slice %arg4[%add3A_12] : memref<262144xf32, #tpu.memory_space<hbm>> -> memref<128xf32, #tpu.memory_space<hbm>>
        tpu.wait_dma2 semaphore(%run_scoped3A : memref<!tpu.dma_semaphore, #tpu.memory_space<semaphore_mem>>) src(%dma_wait3A_20 : memref<128xf32, #tpu.memory_space<hbm>>) dst(%arg27 : memref<128xf32, #tpu.memory_space<vmem>>)
        tpu.yield
      }) : () -> ()
      %scan3A_13 = arith.constant 0 : i32
      %scan3A_14 = arith.constant 0 : i32
      %scan3A_15 = arith.constant 8 : i32
      %scan3A_16 = arith.addi %scan3A_14, %scan3A_15 : i32
      %scan3A_17 = arith.constant 1 : i32
      scf.for %scan3A_19 = %scan3A_14 to %scan3A_16 step %scan3A_17  : i32 {
        %mul3A_20 = arith.constant 16 : i32
        %mul3A_21 = arith.muli %scan3A_19, %mul3A_20 : i32
        %get3A = arith.index_cast %mul3A_21 : i32 to index
        %get3A_22 = tpu.vector_load %arg25[%get3A] {strides = array<i32>} : memref<128xf32, #tpu.memory_space<vmem>>, vector<16xf32>,
        %get3A_23 = arith.index_cast %mul3A_21 : i32 to index
        %get3A_24 = tpu.vector_load %arg26[%get3A_23] {strides = array<i32>} : memref<128xf32, #tpu.memory_space<vmem>>, vector<16xf32>,
        %get3A_25 = arith.index_cast %mul3A_21 : i32 to index
        %get3A_26 = tpu.vector_load %arg27[%get3A_25] {strides = array<i32>} : memref<128xf32, #tpu.memory_space<vmem>>, vector<16xf32>,
        %mul3A_27 = arith.constant 1.270000e+02 : f32
        %mul3A_28 = vector.broadcast %mul3A_27 : f32 to vector<16xf32>
        %mul3A_29 = arith.mulf %get3A_22, %mul3A_28 : vector<16xf32>
        %convert_element_type3A = arith.fptosi %mul3A_29 : vector<16xf32> to vector<16xi32>
        %jit3A = arith.constant 0 : i32
        %jit3A_30 = arith.constant 126 : i32
        %max3A = vector.broadcast %jit3A : i32 to vector<16xi32>
        %max3A_31 = arith.maxsi %max3A, %convert_element_type3A : vector<16xi32>
        %min3A = vector.broadcast %jit3A_30 : i32 to vector<16xi32>
        %min3A_32 = arith.minsi %min3A, %max3A_31 : vector<16xi32>
        %convert_element_type3A_33 = arith.sitofp %min3A_32 : vector<16xi32> to vector<16xf32>
        %sub3A = arith.subf %mul3A_29, %convert_element_type3A_33 : vector<16xf32>
        %mul3A_34 = arith.constant 1.270000e+02 : f32
        %mul3A_35 = vector.broadcast %mul3A_34 : f32 to vector<16xf32>
        %mul3A_36 = arith.mulf %get3A_24, %mul3A_35 : vector<16xf32>
        %convert_element_type3A_37 = arith.fptosi %mul3A_36 : vector<16xf32> to vector<16xi32>
        %jit3A_38 = arith.constant 0 : i32
        %jit3A_39 = arith.constant 126 : i32
        %max3A_40 = vector.broadcast %jit3A_38 : i32 to vector<16xi32>
        %max3A_41 = arith.maxsi %max3A_40, %convert_element_type3A_37 : vector<16xi32>
        %min3A_42 = vector.broadcast %jit3A_39 : i32 to vector<16xi32>
        %min3A_43 = arith.minsi %min3A_42, %max3A_41 : vector<16xi32>
        %convert_element_type3A_44 = arith.sitofp %min3A_43 : vector<16xi32> to vector<16xf32>
        %sub3A_45 = arith.subf %mul3A_36, %convert_element_type3A_44 : vector<16xf32>
        %mul3A_46 = arith.constant 1.270000e+02 : f32
        %mul3A_47 = vector.broadcast %mul3A_46 : f32 to vector<16xf32>
        %mul3A_48 = arith.mulf %get3A_26, %mul3A_47 : vector<16xf32>
        %convert_element_type3A_49 = arith.fptosi %mul3A_48 : vector<16xf32> to vector<16xi32>
        %jit3A_50 = arith.constant 0 : i32
        %jit3A_51 = arith.constant 126 : i32
        %max3A_52 = vector.broadcast %jit3A_50 : i32 to vector<16xi32>
        %max3A_53 = arith.maxsi %max3A_52, %convert_element_type3A_49 : vector<16xi32>
        %min3A_54 = vector.broadcast %jit3A_51 : i32 to vector<16xi32>
        %min3A_55 = arith.minsi %min3A_54, %max3A_53 : vector<16xi32>
        %convert_element_type3A_56 = arith.sitofp %min3A_55 : vector<16xi32> to vector<16xf32>
        %sub3A_57 = arith.subf %mul3A_48, %convert_element_type3A_56 : vector<16xf32>
        %mul3A_58 = arith.constant 2.990000e+02 : f32
        %mul3A_59 = vector.broadcast %mul3A_58 : f32 to vector<16xf32>
        %mul3A_60 = arith.mulf %get3A_22, %mul3A_59 : vector<16xf32>
        %convert_element_type3A_61 = arith.fptosi %mul3A_60 : vector<16xf32> to vector<16xi32>
        %jit3A_62 = arith.constant 0 : i32
        %jit3A_63 = arith.constant 298 : i32
        %max3A_64 = vector.broadcast %jit3A_62 : i32 to vector<16xi32>
        %max3A_65 = arith.maxsi %max3A_64, %convert_element_type3A_61 : vector<16xi32>
        %min3A_66 = vector.broadcast %jit3A_63 : i32 to vector<16xi32>
        %min3A_67 = arith.minsi %min3A_66, %max3A_65 : vector<16xi32>
        %convert_element_type3A_68 = arith.sitofp %min3A_67 : vector<16xi32> to vector<16xf32>
        %sub3A_69 = arith.subf %mul3A_60, %convert_element_type3A_68 : vector<16xf32>
        %mul3A_70 = arith.constant 2.990000e+02 : f32
        %mul3A_71 = vector.broadcast %mul3A_70 : f32 to vector<16xf32>
        %mul3A_72 = arith.mulf %get3A_24, %mul3A_71 : vector<16xf32>
        %convert_element_type3A_73 = arith.fptosi %mul3A_72 : vector<16xf32> to vector<16xi32>
        %jit3A_74 = arith.constant 0 : i32
        %jit3A_75 = arith.constant 298 : i32
        %max3A_76 = vector.broadcast %jit3A_74 : i32 to vector<16xi32>
        %max3A_77 = arith.maxsi %max3A_76, %convert_element_type3A_73 : vector<16xi32>
        %min3A_78 = vector.broadcast %jit3A_75 : i32 to vector<16xi32>
        %min3A_79 = arith.minsi %min3A_78, %max3A_77 : vector<16xi32>
        %convert_element_type3A_80 = arith.sitofp %min3A_79 : vector<16xi32> to vector<16xf32>
        %sub3A_81 = arith.subf %mul3A_72, %convert_element_type3A_80 : vector<16xf32>
        %mul3A_82 = arith.constant 2.990000e+02 : f32
        %mul3A_83 = vector.broadcast %mul3A_82 : f32 to vector<16xf32>
        %mul3A_84 = arith.mulf %get3A_26, %mul3A_83 : vector<16xf32>
        %convert_element_type3A_85 = arith.fptosi %mul3A_84 : vector<16xf32> to vector<16xi32>
        %jit3A_86 = arith.constant 0 : i32
        %jit3A_87 = arith.constant 298 : i32
        %max3A_88 = vector.broadcast %jit3A_86 : i32 to vector<16xi32>
        %max3A_89 = arith.maxsi %max3A_88, %convert_element_type3A_85 : vector<16xi32>
        %min3A_90 = vector.broadcast %jit3A_87 : i32 to vector<16xi32>
        %min3A_91 = arith.minsi %min3A_90, %max3A_89 : vector<16xi32>
        %convert_element_type3A_92 = arith.sitofp %min3A_91 : vector<16xi32> to vector<16xf32>
        %sub3A_93 = arith.subf %mul3A_84, %convert_element_type3A_92 : vector<16xf32>
        %broadcast_in_dim3A_94 = arith.constant 0.000000e+00 : f32
        %broadcast_in_dim3A_95 = vector.broadcast %broadcast_in_dim3A_94 : f32 to vector<16xf32>
        %scan3A_96 = arith.constant 0 : i32
        %scan3A_97 = arith.constant 64 : i32
        %scan3A_98 = arith.addi %scan3A_96, %scan3A_97 : i32
        %scan3A_99 = arith.constant 2 : i32
        %scan3A_100:7 = scf.for %scan3A_103 = %scan3A_96 to %scan3A_98 step %scan3A_99 iter_args(%scan3A_104 = %broadcast_in_dim3A_95, %scan3A_105 = %min3A_32, %scan3A_106 = %min3A_43, %scan3A_107 = %min3A_55, %scan3A_108 = %min3A_67, %scan3A_109 = %min3A_79, %scan3A_110 = %min3A_91) -> (vector<16xf32>, vector<16xi32>, vector<16xi32>, vector<16xi32>, vector<16xi32>, vector<16xi32>, vector<16xi32>)  : i32 {
          %gather3A = tpu.vector_load_idx %arg16[%scan3A_105] : memref<8192xi32, #tpu.memory_space<vmem>>[vector<16xi32>], vector<16xi32>,
          %shift_left3A = arith.constant 16 : i32
          %shift_left3A_111 = vector.broadcast %shift_left3A : i32 to vector<16xi32>
          %shift_left3A_112 = arith.shli %gather3A, %shift_left3A_111 : vector<16xi32>
          %bitcast3A = vector.bitcast %shift_left3A_112 : vector<16xi32> to vector<16xf32>
          %and3A = arith.andi %gather3A, %broadcast_in_dim3A_3 : vector<16xi32>
          %bitcast3A_113 = vector.bitcast %and3A : vector<16xi32> to vector<16xf32>
          %sub3A_114 = arith.subf %bitcast3A_113, %bitcast3A : vector<16xf32>
          %mul3A_115 = arith.mulf %sub3A, %sub3A_114 : vector<16xf32>
          %add3A_116 = arith.addf %bitcast3A, %mul3A_115 : vector<16xf32>
          %gather3A_117 = tpu.vector_load_idx %arg17[%scan3A_106] : memref<8192xi32, #tpu.memory_space<vmem>>[vector<16xi32>], vector<16xi32>,
          %shift_left3A_118 = arith.constant 16 : i32
          %shift_left3A_119 = vector.broadcast %shift_left3A_118 : i32 to vector<16xi32>
          %shift_left3A_120 = arith.shli %gather3A_117, %shift_left3A_119 : vector<16xi32>
          %bitcast3A_121 = vector.bitcast %shift_left3A_120 : vector<16xi32> to vector<16xf32>
          %and3A_122 = arith.andi %gather3A_117, %broadcast_in_dim3A_3 : vector<16xi32>
          %bitcast3A_123 = vector.bitcast %and3A_122 : vector<16xi32> to vector<16xf32>
          %sub3A_124 = arith.subf %bitcast3A_123, %bitcast3A_121 : vector<16xf32>
          %mul3A_125 = arith.mulf %sub3A_45, %sub3A_124 : vector<16xf32>
          %add3A_126 = arith.addf %bitcast3A_121, %mul3A_125 : vector<16xf32>
          %mul3A_127 = arith.mulf %add3A_116, %add3A_126 : vector<16xf32>
          %gather3A_128 = tpu.vector_load_idx %arg18[%scan3A_107] : memref<8192xi32, #tpu.memory_space<vmem>>[vector<16xi32>], vector<16xi32>,
          %shift_left3A_129 = arith.constant 16 : i32
          %shift_left3A_130 = vector.broadcast %shift_left3A_129 : i32 to vector<16xi32>
          %shift_left3A_131 = arith.shli %gather3A_128, %shift_left3A_130 : vector<16xi32>
          %bitcast3A_132 = vector.bitcast %shift_left3A_131 : vector<16xi32> to vector<16xf32>
          %and3A_133 = arith.andi %gather3A_128, %broadcast_in_dim3A_3 : vector<16xi32>
          %bitcast3A_134 = vector.bitcast %and3A_133 : vector<16xi32> to vector<16xf32>
          %sub3A_135 = arith.subf %bitcast3A_134, %bitcast3A_132 : vector<16xf32>
          %mul3A_136 = arith.mulf %sub3A_57, %sub3A_135 : vector<16xf32>
          %add3A_137 = arith.addf %bitcast3A_132, %mul3A_136 : vector<16xf32>
          %mul3A_138 = arith.mulf %mul3A_127, %add3A_137 : vector<16xf32>
          %swap3A_139 = arith.index_cast %scan3A_103 : i32 to index
          %swap3A_140 = arith.index_cast %mul3A_21 : i32 to index
          %swap3A_141 = tpu.vector_load %arg28[%swap3A_139, %swap3A_140] {strides = array<i32>} : memref<128x128xf32, #tpu.memory_space<vmem>>, vector<16xf32>,
          tpu.vector_store %arg28[%swap3A_139, %swap3A_140], %mul3A_138 {strides = array<i32>} : memref<128x128xf32, #tpu.memory_space<vmem>>, vector<16xf32>,
          %gather3A_142 = tpu.vector_load_idx %arg19[%scan3A_108] : memref<19456xi32, #tpu.memory_space<vmem>>[vector<16xi32>], vector<16xi32>,
          %shift_left3A_143 = arith.constant 16 : i32
          %shift_left3A_144 = vector.broadcast %shift_left3A_143 : i32 to vector<16xi32>
          %shift_left3A_145 = arith.shli %gather3A_142, %shift_left3A_144 : vector<16xi32>
          %bitcast3A_146 = vector.bitcast %shift_left3A_145 : vector<16xi32> to vector<16xf32>
          %and3A_147 = arith.andi %gather3A_142, %broadcast_in_dim3A_3 : vector<16xi32>
          %bitcast3A_148 = vector.bitcast %and3A_147 : vector<16xi32> to vector<16xf32>
          %sub3A_149 = arith.subf %bitcast3A_148, %bitcast3A_146 : vector<16xf32>
          %mul3A_150 = arith.mulf %sub3A_69, %sub3A_149 : vector<16xf32>
          %add3A_151 = arith.addf %bitcast3A_146, %mul3A_150 : vector<16xf32>
          %gather3A_152 = tpu.vector_load_idx %arg20[%scan3A_109] : memref<19456xi32, #tpu.memory_space<vmem>>[vector<16xi32>], vector<16xi32>,
          %shift_left3A_153 = arith.constant 16 : i32
          %shift_left3A_154 = vector.broadcast %shift_left3A_153 : i32 to vector<16xi32>
          %shift_left3A_155 = arith.shli %gather3A_152, %shift_left3A_154 : vector<16xi32>
          %bitcast3A_156 = vector.bitcast %shift_left3A_155 : vector<16xi32> to vector<16xf32>
          %and3A_157 = arith.andi %gather3A_152, %broadcast_in_dim3A_3 : vector<16xi32>
          %bitcast3A_158 = vector.bitcast %and3A_157 : vector<16xi32> to vector<16xf32>
          %sub3A_159 = arith.subf %bitcast3A_158, %bitcast3A_156 : vector<16xf32>
          %mul3A_160 = arith.mulf %sub3A_81, %sub3A_159 : vector<16xf32>
          %add3A_161 = arith.addf %bitcast3A_156, %mul3A_160 : vector<16xf32>
          %mul3A_162 = arith.mulf %add3A_151, %add3A_161 : vector<16xf32>
          %gather3A_163 = tpu.vector_load_idx %arg21[%scan3A_110] : memref<19456xi32, #tpu.memory_space<vmem>>[vector<16xi32>], vector<16xi32>,
          %shift_left3A_164 = arith.constant 16 : i32
          %shift_left3A_165 = vector.broadcast %shift_left3A_164 : i32 to vector<16xi32>
          %shift_left3A_166 = arith.shli %gather3A_163, %shift_left3A_165 : vector<16xi32>
          %bitcast3A_167 = vector.bitcast %shift_left3A_166 : vector<16xi32> to vector<16xf32>
          %and3A_168 = arith.andi %gather3A_163, %broadcast_in_dim3A_3 : vector<16xi32>
          %bitcast3A_169 = vector.bitcast %and3A_168 : vector<16xi32> to vector<16xf32>
          %sub3A_170 = arith.subf %bitcast3A_169, %bitcast3A_167 : vector<16xf32>
          %mul3A_171 = arith.mulf %sub3A_93, %sub3A_170 : vector<16xf32>
          %add3A_172 = arith.addf %bitcast3A_167, %mul3A_171 : vector<16xf32>
          %mul3A_173 = arith.mulf %mul3A_162, %add3A_172 : vector<16xf32>
          %add3A_174 = arith.constant 64 : i32
          %add3A_175 = arith.addi %scan3A_103, %add3A_174 : i32
          %swap3A_176 = arith.index_cast %add3A_175 : i32 to index
          %swap3A_177 = arith.index_cast %mul3A_21 : i32 to index
          %swap3A_178 = tpu.vector_load %arg28[%swap3A_176, %swap3A_177] {strides = array<i32>} : memref<128x128xf32, #tpu.memory_space<vmem>>, vector<16xf32>,
          tpu.vector_store %arg28[%swap3A_176, %swap3A_177], %mul3A_173 {strides = array<i32>} : memref<128x128xf32, #tpu.memory_space<vmem>>, vector<16xf32>,
          %add3A_179 = arith.constant 1 : i32
          %add3A_180 = vector.broadcast %add3A_179 : i32 to vector<16xi32>
          %add3A_181 = arith.addi %scan3A_105, %add3A_180 : vector<16xi32>
          %gather3A_182 = tpu.vector_load_idx %arg22[%scan3A_105] : memref<8192xf32, #tpu.memory_space<vmem>>[vector<16xi32>], vector<16xf32>,
          %gather3A_183 = tpu.vector_load_idx %arg22[%add3A_181] : memref<8192xf32, #tpu.memory_space<vmem>>[vector<16xi32>], vector<16xf32>,
          %sub3A_184 = arith.subf %gather3A_183, %gather3A_182 : vector<16xf32>
          %mul3A_185 = arith.mulf %sub3A, %sub3A_184 : vector<16xf32>
          %add3A_186 = arith.addf %gather3A_182, %mul3A_185 : vector<16xf32>
          %add3A_187 = arith.constant 1 : i32
          %add3A_188 = vector.broadcast %add3A_187 : i32 to vector<16xi32>
          %add3A_189 = arith.addi %scan3A_106, %add3A_188 : vector<16xi32>
          %gather3A_190 = tpu.vector_load_idx %arg23[%scan3A_106] : memref<8192xf32, #tpu.memory_space<vmem>>[vector<16xi32>], vector<16xf32>,
          %gather3A_191 = tpu.vector_load_idx %arg23[%add3A_189] : memref<8192xf32, #tpu.memory_space<vmem>>[vector<16xi32>], vector<16xf32>,
          %sub3A_192 = arith.subf %gather3A_191, %gather3A_190 : vector<16xf32>
          %mul3A_193 = arith.mulf %sub3A_45, %sub3A_192 : vector<16xf32>
          %add3A_194 = arith.addf %gather3A_190, %mul3A_193 : vector<16xf32>
          %mul3A_195 = arith.mulf %add3A_186, %add3A_194 : vector<16xf32>
          %add3A_196 = arith.constant 1 : i32
          %add3A_197 = vector.broadcast %add3A_196 : i32 to vector<16xi32>
          %add3A_198 = arith.addi %scan3A_107, %add3A_197 : vector<16xi32>
          %gather3A_199 = tpu.vector_load_idx %arg24[%scan3A_107] : memref<8192xf32, #tpu.memory_space<vmem>>[vector<16xi32>], vector<16xf32>,
          %gather3A_200 = tpu.vector_load_idx %arg24[%add3A_198] : memref<8192xf32, #tpu.memory_space<vmem>>[vector<16xi32>], vector<16xf32>,
          %sub3A_201 = arith.subf %gather3A_200, %gather3A_199 : vector<16xf32>
          %mul3A_202 = arith.mulf %sub3A_57, %sub3A_201 : vector<16xf32>
          %add3A_203 = arith.addf %gather3A_199, %mul3A_202 : vector<16xf32>
          %mul3A_204 = arith.mulf %mul3A_195, %add3A_203 : vector<16xf32>
          %add3A_205 = arith.addf %scan3A_104, %mul3A_204 : vector<16xf32>
          %add3A_206 = arith.constant 128 : i32
          %add3A_207 = vector.broadcast %add3A_206 : i32 to vector<16xi32>
          %add3A_208 = arith.addi %scan3A_105, %add3A_207 : vector<16xi32>
          %add3A_209 = arith.constant 128 : i32
          %add3A_210 = vector.broadcast %add3A_209 : i32 to vector<16xi32>
          %add3A_211 = arith.addi %scan3A_106, %add3A_210 : vector<16xi32>
          %add3A_212 = arith.constant 128 : i32
          %add3A_213 = vector.broadcast %add3A_212 : i32 to vector<16xi32>
          %add3A_214 = arith.addi %scan3A_107, %add3A_213 : vector<16xi32>
          %add3A_215 = arith.constant 304 : i32
          %add3A_216 = vector.broadcast %add3A_215 : i32 to vector<16xi32>
          %add3A_217 = arith.addi %scan3A_108, %add3A_216 : vector<16xi32>
          %add3A_218 = arith.constant 304 : i32
          %add3A_219 = vector.broadcast %add3A_218 : i32 to vector<16xi32>
          %add3A_220 = arith.addi %scan3A_109, %add3A_219 : vector<16xi32>
          %add3A_221 = arith.constant 304 : i32
          %add3A_222 = vector.broadcast %add3A_221 : i32 to vector<16xi32>
          %add3A_223 = arith.addi %scan3A_110, %add3A_222 : vector<16xi32>
          %scan3A_224 = arith.constant 1 : i32
          %scan3A_225 = arith.addi %scan3A_103, %scan3A_224 : i32
          %gather3A_226 = tpu.vector_load_idx %arg16[%add3A_208] : memref<8192xi32, #tpu.memory_space<vmem>>[vector<16xi32>], vector<16xi32>,
          %shift_left3A_227 = arith.constant 16 : i32
          %shift_left3A_228 = vector.broadcast %shift_left3A_227 : i32 to vector<16xi32>
          %shift_left3A_229 = arith.shli %gather3A_226, %shift_left3A_228 : vector<16xi32>
          %bitcast3A_230 = vector.bitcast %shift_left3A_229 : vector<16xi32> to vector<16xf32>
          %and3A_231 = arith.andi %gather3A_226, %broadcast_in_dim3A_3 : vector<16xi32>
          %bitcast3A_232 = vector.bitcast %and3A_231 : vector<16xi32> to vector<16xf32>
          %sub3A_233 = arith.subf %bitcast3A_232, %bitcast3A_230 : vector<16xf32>
          %mul3A_234 = arith.mulf %sub3A, %sub3A_233 : vector<16xf32>
          %add3A_235 = arith.addf %bitcast3A_230, %mul3A_234 : vector<16xf32>
          %gather3A_236 = tpu.vector_load_idx %arg17[%add3A_211] : memref<8192xi32, #tpu.memory_space<vmem>>[vector<16xi32>], vector<16xi32>,
          %shift_left3A_237 = arith.constant 16 : i32
          %shift_left3A_238 = vector.broadcast %shift_left3A_237 : i32 to vector<16xi32>
          %shift_left3A_239 = arith.shli %gather3A_236, %shift_left3A_238 : vector<16xi32>
          %bitcast3A_240 = vector.bitcast %shift_left3A_239 : vector<16xi32> to vector<16xf32>
          %and3A_241 = arith.andi %gather3A_236, %broadcast_in_dim3A_3 : vector<16xi32>
          %bitcast3A_242 = vector.bitcast %and3A_241 : vector<16xi32> to vector<16xf32>
          %sub3A_243 = arith.subf %bitcast3A_242, %bitcast3A_240 : vector<16xf32>
          %mul3A_244 = arith.mulf %sub3A_45, %sub3A_243 : vector<16xf32>
          %add3A_245 = arith.addf %bitcast3A_240, %mul3A_244 : vector<16xf32>
          %mul3A_246 = arith.mulf %add3A_235, %add3A_245 : vector<16xf32>
          %gather3A_247 = tpu.vector_load_idx %arg18[%add3A_214] : memref<8192xi32, #tpu.memory_space<vmem>>[vector<16xi32>], vector<16xi32>,
          %shift_left3A_248 = arith.constant 16 : i32
          %shift_left3A_249 = vector.broadcast %shift_left3A_248 : i32 to vector<16xi32>
          %shift_left3A_250 = arith.shli %gather3A_247, %shift_left3A_249 : vector<16xi32>
          %bitcast3A_251 = vector.bitcast %shift_left3A_250 : vector<16xi32> to vector<16xf32>
          %and3A_252 = arith.andi %gather3A_247, %broadcast_in_dim3A_3 : vector<16xi32>
          %bitcast3A_253 = vector.bitcast %and3A_252 : vector<16xi32> to vector<16xf32>
          %sub3A_254 = arith.subf %bitcast3A_253, %bitcast3A_251 : vector<16xf32>
          %mul3A_255 = arith.mulf %sub3A_57, %sub3A_254 : vector<16xf32>
          %add3A_256 = arith.addf %bitcast3A_251, %mul3A_255 : vector<16xf32>
          %mul3A_257 = arith.mulf %mul3A_246, %add3A_256 : vector<16xf32>
          %swap3A_258 = arith.index_cast %scan3A_225 : i32 to index
          %swap3A_259 = arith.index_cast %mul3A_21 : i32 to index
          %swap3A_260 = tpu.vector_load %arg28[%swap3A_258, %swap3A_259] {strides = array<i32>} : memref<128x128xf32, #tpu.memory_space<vmem>>, vector<16xf32>,
          tpu.vector_store %arg28[%swap3A_258, %swap3A_259], %mul3A_257 {strides = array<i32>} : memref<128x128xf32, #tpu.memory_space<vmem>>, vector<16xf32>,
          %gather3A_261 = tpu.vector_load_idx %arg19[%add3A_217] : memref<19456xi32, #tpu.memory_space<vmem>>[vector<16xi32>], vector<16xi32>,
          %shift_left3A_262 = arith.constant 16 : i32
          %shift_left3A_263 = vector.broadcast %shift_left3A_262 : i32 to vector<16xi32>
          %shift_left3A_264 = arith.shli %gather3A_261, %shift_left3A_263 : vector<16xi32>
          %bitcast3A_265 = vector.bitcast %shift_left3A_264 : vector<16xi32> to vector<16xf32>
          %and3A_266 = arith.andi %gather3A_261, %broadcast_in_dim3A_3 : vector<16xi32>
          %bitcast3A_267 = vector.bitcast %and3A_266 : vector<16xi32> to vector<16xf32>
          %sub3A_268 = arith.subf %bitcast3A_267, %bitcast3A_265 : vector<16xf32>
          %mul3A_269 = arith.mulf %sub3A_69, %sub3A_268 : vector<16xf32>
          %add3A_270 = arith.addf %bitcast3A_265, %mul3A_269 : vector<16xf32>
          %gather3A_271 = tpu.vector_load_idx %arg20[%add3A_220] : memref<19456xi32, #tpu.memory_space<vmem>>[vector<16xi32>], vector<16xi32>,
          %shift_left3A_272 = arith.constant 16 : i32
          %shift_left3A_273 = vector.broadcast %shift_left3A_272 : i32 to vector<16xi32>
          %shift_left3A_274 = arith.shli %gather3A_271, %shift_left3A_273 : vector<16xi32>
          %bitcast3A_275 = vector.bitcast %shift_left3A_274 : vector<16xi32> to vector<16xf32>
          %and3A_276 = arith.andi %gather3A_271, %broadcast_in_dim3A_3 : vector<16xi32>
          %bitcast3A_277 = vector.bitcast %and3A_276 : vector<16xi32> to vector<16xf32>
          %sub3A_278 = arith.subf %bitcast3A_277, %bitcast3A_275 : vector<16xf32>
          %mul3A_279 = arith.mulf %sub3A_81, %sub3A_278 : vector<16xf32>
          %add3A_280 = arith.addf %bitcast3A_275, %mul3A_279 : vector<16xf32>
          %mul3A_281 = arith.mulf %add3A_270, %add3A_280 : vector<16xf32>
          %gather3A_282 = tpu.vector_load_idx %arg21[%add3A_223] : memref<19456xi32, #tpu.memory_space<vmem>>[vector<16xi32>], vector<16xi32>,
          %shift_left3A_283 = arith.constant 16 : i32
          %shift_left3A_284 = vector.broadcast %shift_left3A_283 : i32 to vector<16xi32>
          %shift_left3A_285 = arith.shli %gather3A_282, %shift_left3A_284 : vector<16xi32>
          %bitcast3A_286 = vector.bitcast %shift_left3A_285 : vector<16xi32> to vector<16xf32>
          %and3A_287 = arith.andi %gather3A_282, %broadcast_in_dim3A_3 : vector<16xi32>
          %bitcast3A_288 = vector.bitcast %and3A_287 : vector<16xi32> to vector<16xf32>
          %sub3A_289 = arith.subf %bitcast3A_288, %bitcast3A_286 : vector<16xf32>
          %mul3A_290 = arith.mulf %sub3A_93, %sub3A_289 : vector<16xf32>
          %add3A_291 = arith.addf %bitcast3A_286, %mul3A_290 : vector<16xf32>
          %mul3A_292 = arith.mulf %mul3A_281, %add3A_291 : vector<16xf32>
          %add3A_293 = arith.constant 64 : i32
          %add3A_294 = arith.addi %scan3A_225, %add3A_293 : i32
          %swap3A_295 = arith.index_cast %add3A_294 : i32 to index
          %swap3A_296 = arith.index_cast %mul3A_21 : i32 to index
          %swap3A_297 = tpu.vector_load %arg28[%swap3A_295, %swap3A_296] {strides = array<i32>} : memref<128x128xf32, #tpu.memory_space<vmem>>, vector<16xf32>,
          tpu.vector_store %arg28[%swap3A_295, %swap3A_296], %mul3A_292 {strides = array<i32>} : memref<128x128xf32, #tpu.memory_space<vmem>>, vector<16xf32>,
          %add3A_298 = arith.constant 1 : i32
          %add3A_299 = vector.broadcast %add3A_298 : i32 to vector<16xi32>
          %add3A_300 = arith.addi %add3A_208, %add3A_299 : vector<16xi32>
          %gather3A_301 = tpu.vector_load_idx %arg22[%add3A_208] : memref<8192xf32, #tpu.memory_space<vmem>>[vector<16xi32>], vector<16xf32>,
          %gather3A_302 = tpu.vector_load_idx %arg22[%add3A_300] : memref<8192xf32, #tpu.memory_space<vmem>>[vector<16xi32>], vector<16xf32>,
          %sub3A_303 = arith.subf %gather3A_302, %gather3A_301 : vector<16xf32>
          %mul3A_304 = arith.mulf %sub3A, %sub3A_303 : vector<16xf32>
          %add3A_305 = arith.addf %gather3A_301, %mul3A_304 : vector<16xf32>
          %add3A_306 = arith.constant 1 : i32
          %add3A_307 = vector.broadcast %add3A_306 : i32 to vector<16xi32>
          %add3A_308 = arith.addi %add3A_211, %add3A_307 : vector<16xi32>
          %gather3A_309 = tpu.vector_load_idx %arg23[%add3A_211] : memref<8192xf32, #tpu.memory_space<vmem>>[vector<16xi32>], vector<16xf32>,
          %gather3A_310 = tpu.vector_load_idx %arg23[%add3A_308] : memref<8192xf32, #tpu.memory_space<vmem>>[vector<16xi32>], vector<16xf32>,
          %sub3A_311 = arith.subf %gather3A_310, %gather3A_309 : vector<16xf32>
          %mul3A_312 = arith.mulf %sub3A_45, %sub3A_311 : vector<16xf32>
          %add3A_313 = arith.addf %gather3A_309, %mul3A_312 : vector<16xf32>
          %mul3A_314 = arith.mulf %add3A_305, %add3A_313 : vector<16xf32>
          %add3A_315 = arith.constant 1 : i32
          %add3A_316 = vector.broadcast %add3A_315 : i32 to vector<16xi32>
          %add3A_317 = arith.addi %add3A_214, %add3A_316 : vector<16xi32>
          %gather3A_318 = tpu.vector_load_idx %arg24[%add3A_214] : memref<8192xf32, #tpu.memory_space<vmem>>[vector<16xi32>], vector<16xf32>,
          %gather3A_319 = tpu.vector_load_idx %arg24[%add3A_317] : memref<8192xf32, #tpu.memory_space<vmem>>[vector<16xi32>], vector<16xf32>,
          %sub3A_320 = arith.subf %gather3A_319, %gather3A_318 : vector<16xf32>
          %mul3A_321 = arith.mulf %sub3A_57, %sub3A_320 : vector<16xf32>
          %add3A_322 = arith.addf %gather3A_318, %mul3A_321 : vector<16xf32>
          %mul3A_323 = arith.mulf %mul3A_314, %add3A_322 : vector<16xf32>
          %add3A_324 = arith.addf %add3A_205, %mul3A_323 : vector<16xf32>
          %add3A_325 = arith.constant 128 : i32
          %add3A_326 = vector.broadcast %add3A_325 : i32 to vector<16xi32>
          %add3A_327 = arith.addi %add3A_208, %add3A_326 : vector<16xi32>
          %add3A_328 = arith.constant 128 : i32
          %add3A_329 = vector.broadcast %add3A_328 : i32 to vector<16xi32>
          %add3A_330 = arith.addi %add3A_211, %add3A_329 : vector<16xi32>
          %add3A_331 = arith.constant 128 : i32
          %add3A_332 = vector.broadcast %add3A_331 : i32 to vector<16xi32>
          %add3A_333 = arith.addi %add3A_214, %add3A_332 : vector<16xi32>
          %add3A_334 = arith.constant 304 : i32
          %add3A_335 = vector.broadcast %add3A_334 : i32 to vector<16xi32>
          %add3A_336 = arith.addi %add3A_217, %add3A_335 : vector<16xi32>
          %add3A_337 = arith.constant 304 : i32
          %add3A_338 = vector.broadcast %add3A_337 : i32 to vector<16xi32>
          %add3A_339 = arith.addi %add3A_220, %add3A_338 : vector<16xi32>
          %add3A_340 = arith.constant 304 : i32
          %add3A_341 = vector.broadcast %add3A_340 : i32 to vector<16xi32>
          %add3A_342 = arith.addi %add3A_223, %add3A_341 : vector<16xi32>
          scf.yield %add3A_324, %add3A_327, %add3A_330, %add3A_333, %add3A_336, %add3A_339, %add3A_342 : vector<16xf32>, vector<16xi32>, vector<16xi32>, vector<16xi32>, vector<16xi32>, vector<16xi32>, vector<16xi32>
        }
        %scan3A_101 = arith.constant 64 : i32
        %swap3A = arith.index_cast %mul3A_21 : i32 to index
        %swap3A_102 = tpu.vector_load %arg29[%swap3A] {strides = array<i32>} : memref<128xf32, #tpu.memory_space<vmem>>, vector<16xf32>,
        tpu.vector_store %arg29[%swap3A], %scan3A_100#0 {strides = array<i32>} : memref<128xf32, #tpu.memory_space<vmem>>, vector<16xf32>,
      }
      %scan3A_18 = arith.constant 8 : i32
      "tpu.region"() ({
        %run_scoped3A = tpu.sem_alloc : memref<!tpu.dma_semaphore, #tpu.memory_space<semaphore_mem>>
        %dma_start3A = arith.constant 0 : i32
        %dma_start3A_19 = tpu.memref_slice %arg14[%dma_start3A, %add3A_12] : memref<128x262144xf32, #tpu.memory_space<hbm>> -> memref<128x128xf32, #tpu.memory_space<hbm>>
        %dma_start3A_20 = arith.constant 0 : i32
        %dma_start3A_21 = tpu.memref_slice %arg14[%dma_start3A_20, %add3A_12] : memref<128x262144xf32, #tpu.memory_space<hbm>> -> memref<128x128xf32, #tpu.memory_space<hbm>>
        tpu.enqueue_dma source(%arg28 : memref<128x128xf32, #tpu.memory_space<vmem>>) target(%dma_start3A_21 : memref<128x128xf32, #tpu.memory_space<hbm>>) target_semaphore(%run_scoped3A : memref<!tpu.dma_semaphore, #tpu.memory_space<semaphore_mem>>)
        %dma_wait3A = arith.constant 0 : i32
        %dma_wait3A_22 = tpu.memref_slice %arg14[%dma_wait3A, %add3A_12] : memref<128x262144xf32, #tpu.memory_space<hbm>> -> memref<128x128xf32, #tpu.memory_space<hbm>>
        %dma_wait3A_23 = arith.constant 0 : i32
        %dma_wait3A_24 = tpu.memref_slice %arg14[%dma_wait3A_23, %add3A_12] : memref<128x262144xf32, #tpu.memory_space<hbm>> -> memref<128x128xf32, #tpu.memory_space<hbm>>
        tpu.wait_dma2 semaphore(%run_scoped3A : memref<!tpu.dma_semaphore, #tpu.memory_space<semaphore_mem>>) src(%arg28 : memref<128x128xf32, #tpu.memory_space<vmem>>) dst(%dma_wait3A_24 : memref<128x128xf32, #tpu.memory_space<hbm>>)
        tpu.yield
      }) : () -> ()
      "tpu.region"() ({
        %run_scoped3A = tpu.sem_alloc : memref<!tpu.dma_semaphore, #tpu.memory_space<semaphore_mem>>
        %dma_start3A = tpu.memref_slice %arg15[%add3A_12] : memref<262144xf32, #tpu.memory_space<hbm>> -> memref<128xf32, #tpu.memory_space<hbm>>
        %dma_start3A_19 = tpu.memref_slice %arg15[%add3A_12] : memref<262144xf32, #tpu.memory_space<hbm>> -> memref<128xf32, #tpu.memory_space<hbm>>
        tpu.enqueue_dma source(%arg29 : memref<128xf32, #tpu.memory_space<vmem>>) target(%dma_start3A_19 : memref<128xf32, #tpu.memory_space<hbm>>) target_semaphore(%run_scoped3A : memref<!tpu.dma_semaphore, #tpu.memory_space<semaphore_mem>>)
        %dma_wait3A = tpu.memref_slice %arg15[%add3A_12] : memref<262144xf32, #tpu.memory_space<hbm>> -> memref<128xf32, #tpu.memory_space<hbm>>
        %dma_wait3A_20 = tpu.memref_slice %arg15[%add3A_12] : memref<262144xf32, #tpu.memory_space<hbm>> -> memref<128xf32, #tpu.memory_space<hbm>>
        tpu.wait_dma2 semaphore(%run_scoped3A : memref<!tpu.dma_semaphore, #tpu.memory_space<semaphore_mem>>) src(%arg29 : memref<128xf32, #tpu.memory_space<vmem>>) dst(%dma_wait3A_20 : memref<128xf32, #tpu.memory_space<hbm>>)
        tpu.yield
      }) : () -> ()
    }
    %scan3A_8 = arith.constant 64 : i32
    return
  }
}

module attributes {stable_mosaic.version = 14 : i64} {
  func.func @_tc_project_body(%arg0: i32, %arg1: memref<128x2048xf32, #tpu.memory_space<vmem>>, %arg2: memref<128x54xf32, #tpu.memory_space<vmem>>, %arg3: memref<2048x54xf32, #tpu.memory_space<vmem>>) attributes {dimension_semantics = [#tpu.dimension_semantics<arbitrary>], iteration_bounds = array<i64: 128>, scalar_prefetch = 0 : i64, scratch_operands = 0 : i64, tpu.core_type = #tpu.core_type<tc>, window_params = [{transform_indices = @transform_0, window_bounds = array<i64: 128, 2048>}, {pipeline_mode = #tpu.pipeline_mode<synchronous>, transform_indices = @transform_1, window_bounds = array<i64: 128, 54>}, {transform_indices = @transform_2, window_bounds = array<i64: 2048, 54>}]} {
    %get3A = arith.constant 0 : index
    %get3A_0 = arith.constant 0 : index
    %get3A_1 = vector.load %arg1[%get3A, %get3A_0] : memref<128x2048xf32, #tpu.memory_space<vmem>>, vector<128x2048xf32>
    %get3A_2 = arith.constant 0 : index
    %get3A_3 = arith.constant 0 : index
    %get3A_4 = vector.load %arg2[%get3A_2, %get3A_3] : memref<128x54xf32, #tpu.memory_space<vmem>>, vector<128x54xf32>
    %dot_general3A = arith.constant dense<0.000000e+00> : vector<2048x54xf32>
    %dot_general3A_5 = tpu.matmul %get3A_1, %get3A_4, %dot_general3A {dimension_numbers = #tpu.dot_dimension_numbers<[0], [0], [1], [1], [0, 1, 1, 1], [], []>, transpose_lhs_hint = false} : vector<128x2048xf32>, vector<128x54xf32>, vector<2048x54xf32> -> vector<2048x54xf32>
    %swap3A = arith.constant 0 : index
    %swap3A_6 = arith.constant 0 : index
    %swap3A_7 = vector.load %arg3[%swap3A, %swap3A_6] : memref<2048x54xf32, #tpu.memory_space<vmem>>, vector<2048x54xf32>
    tpu.vector_store %arg3[%swap3A, %swap3A_6], %dot_general3A_5 {strides = array<i32>} : memref<2048x54xf32, #tpu.memory_space<vmem>>, vector<2048x54xf32>,
    return
  }
  func.func @transform_0(%arg0: i32) -> (i32, i32) {
    %c0_i32 = arith.constant 0 : i32
    %c0_i32_0 = arith.constant 0 : i32
    return %c0_i32, %arg0 : i32, i32
  }
  func.func @transform_1(%arg0: i32) -> (i32, i32) {
    %c0_i32 = arith.constant 0 : i32
    %c0_i32_0 = arith.constant 0 : i32
    %c0_i32_1 = arith.constant 0 : i32
    return %c0_i32, %c0_i32_0 : i32, i32
  }
  func.func @transform_2(%arg0: i32) -> (i32, i32) {
    %c0_i32 = arith.constant 0 : i32
    %c0_i32_0 = arith.constant 0 : i32
    return %arg0, %c0_i32 : i32, i32
  }
}

</mosaic_0001>

<sc_bundles>
// kernel: kernel.4.cloned.1.call-start
scs
__scs_entry_jumppad:
0x0: {  	(pc) =	sbr.rel $0x88, $3  }
0x1: {  	(tag) =	ssettag $0x0;
	lr =	simm.s32 $0x1  }
0x2: {  	[smem:$0x3F95] =	sst lr;
	_ =	strace $0xD0000000  }
0x3: {  	_ = 	snop  }
0x4: {  	_ = 	snop  }
0x5: {  	_ = 	snop  }
0x6: {  	_ = 	snop  }
0x7: {  	_ = 	snop  }
__scs_overlays_trampoline_lowered:
0x8: {  	[smem:$0x3FA4] =	sst s0  }
0x9: {  	[smem:$0x3FA5] =	sst s1  }
0xa: {  	[smem:$0x3FA6] =	sst s2  }
0xb: {  	[smem:$0x3FA7] =	sst s3  }
0xc: {  	[smem:$0x3FA8] =	sst s4  }
0xd: {  	[smem:$0x3FA9] =	sst s5  }
0xe: {  	[smem:$0x3FAA] =	sst s6  }
0xf: {  	[smem:$0x3FAB] =	sst s7  }
0x10: {  	[smem:$0x3FAC] =	sst s8  }
0x11: {  	[smem:$0x3FAD] =	sst s9;
	s0 =	simm.s32 @!p0 $0x0  }
0x12: {  	s1 =	sld [smem:$0x3F93];
	s0 =	simm.s32 @p0 $0x1  }
0x13: {  	[smem:$0x3FAE] =	sst s0;
	s0 =	simm.s32 @!p1 $0x0  }
0x14: {  	s2 =	sld [smem:$0x3F92];
	s0 =	simm.s32 @p1 $0x1  }
0x15: {  	[smem:$0x3FAF] =	sst s0;
	s0 =	simm.s32 @!p2 $0x0  }
0x16: {  	s3 =	sld [smem:$0x3FDB];
	s0 =	simm.s32 @p2 $0x1  }
0x17: {  	s4 =	simm.s32 $0x1BF5;
	[smem:$0x3FB1] =	sst s0  }
0x18: {  	s0 =	sld [smem:$0x3F94];
	_ =	swait.ge [sflag:s4], $0x0  }
0x19: {  	s7 =	sld [smem:$0x3F95]  }
0x1a: {  	s8 =	sadd.s32 $0xFFFFE003, lr  }
0x1b: {  	s9 =	sadd.s32 $0xFFFFFEF7, lr;
	s5 =	simm.s32 $0xFFFFFFFF;
	p2 =	slt.u32 s8, $0xFFFFF086  }
0x1c: {  	p1 =	slt.u32 s9, $0xF7A;
	s5 =	simm.s32 @!p2 $0x0  }
0x1d: {  	s5 =	simm.s32 @p1 $0x1;
	p0 =	seq.s32 s7, s2  }
0x1e: {  	s7 =	smul.u32 @!p0 $0xF7A, s2;
	p2 =	seq.s32 @!p0 s5, $0x0  }
0x1f: {  	s9 =	smul.u32 $0xF7A, s1;
	s8 =	simm.s32 @!p0 $0x1BF5;
	p2 =	por !p2, p0  }
0x20: {  	[sflag:s8] =	ssyncset.s32 @!p0 $0xFFFFF086;
	s6 =	sadd.s32 @!p0 s3, s7;
	s7 =	simm.s32 @!p0 $0x108  }
0x21: {  	s3 =	sadd.s32 s3, s9;
	s6 =	sadd.s32 @!p0 $0x88, s6;
	s7 =	simm.s32 @p2 $0x1082  }
0x22: {  	[simem:s7], [sflag:s8] =	dma.local @!p0 [hbm:s6], $0xF7A  }
0x23: {  	s9 =	sor.u32 $0xD0000000, s2;
	s6 =	simm.s32 $0x108;
	_ =	swait.ge @!p0 [sflag:s8], $0x0  }
0x24: {  	s3 =	sadd.s32 $0x88, s3;
	s6 =	simm.s32 @!p1 $0x1082;
	[sflag:s4] =	ssyncset.s32 $0xFFFFF086  }
0x25: {  	[simem:s6], [sflag:s4] =	dma.local [hbm:s3], $0xF7A  }
0x26: {  	[smem:$0x3F95] =	sst s1;
	(tag) =	ssettag s2;
	_ =	strace s9  }
0x27: {  	s1 =	sld [smem:$0x3FA5]  }
0x28: {  	s2 =	sld [smem:$0x3FA6]  }
0x29: {  	s4 =	sld [smem:$0x3FA8]  }
0x2a: {  	p0 =	seq.s32 s5, $0x0;
	s5 =	sld [smem:$0x3FA9]  }
0x2b: {  	s6 =	sld [smem:$0x3FAA]  }
0x2c: {  	s7 =	sld [smem:$0x3FAB]  }
0x2d: {  	s3 =	simm.s32 $0x108;
	s8 =	sld [smem:$0x3FAC]  }
0x2e: {  	s3 =	simm.s32 @!p0 $0x1082;
	s9 =	sld [smem:$0x3FAD]  }
0x2f: {  	lr =	sadd.s32 s0, s3;
	s0 =	sld [smem:$0x3FA4]  }
0x30: {  	s3 =	sld [smem:$0x3FA7]  }
0x31: {  	[smem:$0x3FB0] =	sst s10  }
0x32: {  	s10 =	sld [smem:$0x3FAE];
	_ =	sdelay $0x3  }
0x33: {  	p0 =	seq.s32 s10, $0x1;
	s10 =	sld [smem:$0x3FB0];
	_ =	sdelay $0x3  }
0x34: {  	[smem:$0x3FB0] =	sst s10  }
0x35: {  	s10 =	sld [smem:$0x3FAF];
	_ =	sdelay $0x3  }
0x36: {  	p1 =	seq.s32 s10, $0x1;
	s10 =	sld [smem:$0x3FB0];
	_ =	sdelay $0x3  }
0x37: {  	[smem:$0x3FB0] =	sst s10  }
0x38: {  	s10 =	sld [smem:$0x3FB1]  }
0x39: {  	_ = 	snop;
	(pc) =	sbr.ind lr, $3  }
0x3a: {  	_ = 	snop  }
0x3b: {  	_ = 	snop  }
0x3c: {  	p2 =	seq.s32 s10, $0x1;
	s10 =	sld [smem:$0x3FB0]  }
0x3d: {  	_ =	shalt  }
0x3e: {  	_ =	shalt  }
0x3f: {  	_ =	shalt  }
0x40: {  	_ =	shalt  }
0x41: {  	_ =	shalt  }
0x42: {  	_ =	shalt  }
0x43: {  	_ =	shalt  }
0x44: {  	_ =	shalt  }
0x45: {  	_ =	shalt  }
0x46: {  	_ =	shalt  }
0x47: {  	_ =	shalt  }
0x48: {  	_ =	shalt  }
0x49: {  	_ =	shalt  }
0x4a: {  	_ =	shalt  }
0x4b: {  	_ =	shalt  }
0x4c: {  	_ =	shalt  }
0x4d: {  	_ =	shalt  }
0x4e: {  	_ =	shalt  }
0x4f: {  	_ =	shalt  }
0x50: {  	_ =	shalt  }
0x51: {  	_ =	shalt  }
0x52: {  	_ =	shalt  }
0x53: {  	_ =	shalt  }
0x54: {  	_ =	shalt  }
0x55: {  	_ =	shalt  }
0x56: {  	_ =	shalt  }
0x57: {  	_ =	shalt  }
0x58: {  	_ =	shalt  }
0x59: {  	_ =	shalt  }
0x5a: {  	_ =	shalt  }
0x5b: {  	_ =	shalt  }
0x5c: {  	_ =	shalt  }
0x5d: {  	_ =	shalt  }
0x5e: {  	_ =	shalt  }
0x5f: {  	_ =	shalt  }
0x60: {  	_ =	shalt  }
0x61: {  	_ =	shalt  }
0x62: {  	_ =	shalt  }
0x63: {  	_ =	shalt  }
0x64: {  	_ =	shalt  }
0x65: {  	_ =	shalt  }
0x66: {  	_ =	shalt  }
0x67: {  	_ =	shalt  }
0x68: {  	_ =	shalt  }
0x69: {  	_ =	shalt  }
0x6a: {  	_ =	shalt  }
0x6b: {  	_ =	shalt  }
0x6c: {  	_ =	shalt  }
0x6d: {  	_ =	shalt  }
0x6e: {  	_ =	shalt  }
0x6f: {  	_ =	shalt  }
0x70: {  	_ =	shalt  }
0x71: {  	_ =	shalt  }
0x72: {  	_ =	shalt  }
0x73: {  	_ =	shalt  }
0x74: {  	_ =	shalt  }
0x75: {  	_ =	shalt  }
0x76: {  	_ =	shalt  }
0x77: {  	_ =	shalt  }
0x78: {  	_ =	shalt  }
0x79: {  	_ =	shalt  }
0x7a: {  	_ =	shalt  }
0x7b: {  	_ =	shalt  }
0x7c: {  	_ =	shalt  }
0x7d: {  	_ =	shalt  }
0x7e: {  	_ =	shalt  }
0x7f: {  	_ =	shalt  }
0x80: {  	_ =	shalt  }
0x81: {  	_ =	shalt  }
0x82: {  	_ =	shalt  }
0x83: {  	_ =	shalt  }
0x84: {  	_ =	shalt  }
0x85: {  	_ =	shalt  }
0x86: {  	_ =	shalt  }
0x87: {  	_ =	shalt  }
.Lfunc_end0:
.L_simem_size_0:
called_computation_lowered:
.L_overlay_start_0:
0x88: {  	s2 =	sld [smem:$0x3FD9]  }
0x89: {  	s3 =	sld [smem:$0x3FFE];
	_ =	sdelay $0x1  }
0x8a: {  	s1 =	srdreg.scid  }
0x8b: {  	s0 =	sand.u32 $0x1, s1  }
0x8c: {  	s14 =	sshll.u32 s0, $0xA;
	s2 =	sadd.s32 s3, s2  }
0x8d: {  	s2 =	sadd.s32 s2, s14  }
0x8e: {  	[smem:$0x3FBC] =	sst s2  }
0x8f: {  	_ = 	snop  }
0x90: {  	s2 =	sld [smem:$0x3FD0]  }
0x91: {  	s15 =	sld [smem:$0x3FC2]  }
0x92: {  	s4 =	sld [smem:$0x3FC1]  }
0x93: {  	s6 =	simm.s32 $0xA;
	s7 =	simm.s32 $0x10;
	s5 =	sld [smem:$0x3FC0]  }
0x94: {  	[smem:s7], [sflag:s6] =	dma.local [hbm:s2], $0x1  }
0x95: {  	_ =	swait.eq [sflag:s6], $0x1  }
0x96: {  	[sflag:s6] =	ssyncset.done $0x0  }
0x97: {  	s16 =	sld [smem:$0x10];
	[sflag:s6] =	ssyncadd.s32 $0xFFFFFFFF  }
0x98: {  	s17 =	sld [smem:$0x11];
	(tm) =	ssettm $0x1  }
0x99: {  	s18 =	sld [smem:$0x3FFB];
	_ =	sdelay $0x3  }
0x9a: {  	_ =	strace s18  }
0x9b: {  	s7 =	sld [smem:$0x3FFC];
	_ =	sdelay $0x3  }
0x9c: {  	_ =	strace s7  }
0x9d: {  	s7 =	sld [smem:$0x3FFD];
	_ =	sdelay $0x3  }
0x9e: {  	_ =	strace s7  }
0x9f: {  	_ =	strace $0x8FFFFFFF  }
0xa0: {  	s19 =	sld [smem:$0x3FDB];
	_ =	sdelay $0x1  }
0xa1: {  	s8 =	simm.s32 $_scs_section_size  }
0xa2: {  	s9 =	simm.s32 $_size__tile_overlayer_lowered;
	s10 =	simm.s32 $_tile_overlayer_lowered  }
0xa3: {  	s22 =	simm.s32 $0x1BFF;
	s21 =	sshll.u32 s10, $0x1;
	s7 =	sadd.s32 s8, s19  }
0xa4: {  	s11 =	simm.s32 $0x0;
	s20 =	sshll.u32 s9, $0x1;
	s9 =	sadd.s32 s21, s7  }
0xa5: {  	[timem:s11], [sflag:s22] =	dma.local [hbm:s9], s20  }
0xa6: {  	_ =	swait.ge [sflag:s22], s20  }
0xa7: {  	s8 =	ssub.s32 $0x0, s20;
	[sflag:s22] =	ssyncset.done $0x0  }
0xa8: {  	[sflag:s22] =	ssyncadd.s32 s8;
	_ =	sdelay $0x1  }
0xa9: {  	s23 =	simm.s32 $0x1B8B  }
0xaa: {  	_ =	swait.ge [sflag:s23], $0x1  }
0xab: {  	[sflag:s23] =	ssyncset.done $0x0  }
0xac: {  	s25 =	simm.s32 $0x1B8E;
	s24 =	sld [smem:$0x3FFE];
	[sflag:s23] =	ssyncadd.s32 $0xFFFFFFFF  }
0xad: {  	s26 =	simm.s32 $execute0_lowered;
	[smem:$0x3FD2] =	sst s25  }
0xae: {  	s9 =	sshll.u32 s26, $0x1;
	_ =	strace $0x80000046;
	[dreg:$0x1] =	wrdreg $0xFFFFFFFF  }
0xaf: {  	s28 =	simm.s32 $_size_execute0_lowered;
	s7 =	sadd.s32 s7, s9;
	[dreg:$0x0] =	wrdreg $0x0  }
0xb0: {  	s9 =	sshll.u32 s28, $0x1;
	[dreg:$0x2] =	wrdreg s7  }
0xb1: {  	[dreg:$0x3] =	wrdreg s9  }
0xb2: {  	[dreg:$0x4] =	wrdreg $0xC0  }
0xb3: {  	_ =	task [dreg:s11], $0x5FFFF  }
0xb4: {  	[dreg:$0x1] =	wrdreg $0xFFFFFFFF  }
0xb5: {  	[dreg:$0x0] =	wrdreg $0x60  }
0xb6: {  	[dreg:$0x2] =	wrdreg s24  }
0xb7: {  	[dreg:$0x3] =	wrdreg s16  }
0xb8: {  	[dreg:$0x4] =	wrdreg s15  }
0xb9: {  	[dreg:$0x5] =	wrdreg s4  }
0xba: {  	[dreg:$0x6] =	wrdreg s5  }
0xbb: {  	[dreg:$0x7] =	wrdreg s17  }
0xbc: {  	[dreg:$0x8] =	wrdreg $0x9  }
0xbd: {  	_ =	task.clear_ibuf [dreg:s11], $0x9FFFF;
	_ =	strace $0x90000046  }
0xbe: {  	s29 =	simm.s32 $0x9;
	_ =	strace $0x80000048  }
0xbf: {  	_ =	swait.ge [sflag:s29], $0x1  }
0xc0: {  	[sflag:s29] =	ssyncadd.s32 $0xFFFFFFFF  }
0xc1: {  	_ =	strace $0x90000048  }
0xc2: {  	_ =	sfence  }
0xc3: {  	s30 =	sld [smem:$0x0];
	_ =	sdelay $0x2  }
0xc4: {  	s31 =	sshll.u32 s1, $0xD;
	s1 =	sshrl.u32 s1, $0x2  }
0xc5: {  	s3 =	sand.u32 $0x4000, s31;
	s1 =	sadd.s32 s1, s30  }
0xc6: {  	s0 =	sor.u32 s3, s0;
	s1 =	sshll.u32 s1, $0x11  }
0xc7: {  	s0 =	sor.u32 s1, s0  }
0xc8: {  	s0 =	sadd.s32 $0x8F2B, s0  }
0xc9: {  	[sflag:s0] =	ssyncadd.remote.s32 $0x1  }
0xca: {  	_ =	sfence.sel $0xFFFF  }
0xcb: {  	[dreg:$0x0] =	wrdreg $0xFFFFFFFF;
	(pc) =	sbr.abs _section_cstart, $3  }
0xcc: {  	[dreg:$0x1] =	wrdreg $0xFFFFFFFF  }
0xcd: {  	_ =	task.clear_ibuf [dreg:s11], $0x2FFFF;
	_ =	strace $0x9FFFFFFF  }
0xce: {  	(tm) =	ssettm $0x7FFFFFFF  }
0xcf: {  	_ =	shalt  }
tec
execute0_lowered:
.L_overlay_start_1:
0x0: {  	(tag) =	ssettag $0x1  }
0x1: {  	s0 =	rddreg [dreg:$0x0]  }
0x2: {  	s5 =	rddreg [dreg:$0x5];
	s6 =	simm.s32 $0x0  }
0x3: {  	s22 =	srdreg.scid;
	s4 =	stileid.u32;
	s19 =	simm.s32 $0x1  }
0x4: {  	s28 =	simm.s32 $0x18400;
	s29 =	simm.s32 $0x1A400;
	s30 =	simm.s32 $0x1A480  }
0x5: {  	s31 =	simm.s32 $0x1A500;
	[smem:$0x7FF] =	sst s6;
	s1 =	sadd.s32 $0x12E00, s0  }
0x6: {  	s20 =	sadd.s32 $0x13200, s0;
	_ =	strace $0x80000047;
	[dreg:$0x7] =	wrdreg s1  }
0x7: {  	s12 =	simm.s32 $0x200000;
	s21 =	sadd.s32 $0x12A00, s0;
	[dreg:$0x8] =	wrdreg s20  }
0x8: {  	s7 =	sadd.s32 $0xAA00, s0;
	s2 =	sadd.s32 $0xC00, s0;
	[dreg:$0x9] =	wrdreg s21  }
0x9: {  	s8 =	sadd.s32 $0x2A00, s0;
	s23 =	sadd.s32 $0x1600, s0;
	[dreg:$0xa] =	wrdreg s2  }
0xa: {  	s24 =	sadd.s32 $0x2000, s0;
	s4 =	sshll.u32 s4, $0x7;
	[dreg:$0xb] =	wrdreg s23  }
0xb: {  	s16 =	sadd.s32 $0x13600, s0;
	s1 =	sand.u32 $0x1, s22;
	[dreg:$0xc] =	wrdreg s24  }
0xc: {  	s20 =	simm.s32 $0x2000;
	s21 =	simm.s32 $0x4000;
	s22 =	simm.s32 $0x6000  }
0xd: {  	s23 =	simm.s32 $0xAC00;
	s24 =	simm.s32 $0xF800;
	s25 =	ssub.s32 $0x2, s1  }
0xe: {  	s2 =	simm.s32 $0x1A580;
	s1 =	sshll.u32 s1, $0x6;
	s3 =	sshrl.u32 s25, $0x1  }
0xf: {  	s17 =	sor.u32 s1, s4;
	s4 =	simm.s32 $0x0;
	s26 =	ssub.s32 s25, s3  }
0x10: {  	s25 =	simm.s32 $0x14400;
	s3 =	simm.s32 $0x1E580;
	s0 =	smax.u32 s26, $0x1  }
0x11: {  	s26 =	simm.s32 $0x16400;
	[dreg:$0xd] =	wrdreg s0;
	s0 =	simm.s32 $0x400  }
.LBB2_1:
0x12: {  	[dreg:$0xe] =	wrdreg s4  }
0x13: {  	s1 =	rddreg [dreg:$0x7]  }
0x14: {  	[tilespmem:s6], [sflag:$0x1] =	stream.linear.gather [hbm4b:s1+s6], $0x2000, $0x38;
	[tilespmem:$0x1E600] =	vst v63  }
0x15: {  	_ =	swait.ge [sflag:s19], $0x2000  }
0x16: {  	[sflag:s19] =	ssyncset.done $0x0  }
0x17: {  	s4 =	rddreg [dreg:$0x8];
	[sflag:s19] =	ssyncadd.s32 $0xFFFFE000  }
0x18: {  	[tilespmem:s20], [sflag:$0x1] =	stream.linear.gather [hbm4b:s4+s6], $0x2000, $0x38;
	[tilespmem:$0x1E600] =	vst v63  }
0x19: {  	_ =	swait.ge [sflag:s19], $0x2000  }
0x1a: {  	[sflag:s19] =	ssyncset.done $0x0  }
0x1b: {  	s9 =	rddreg [dreg:$0x9];
	[sflag:s19] =	ssyncadd.s32 $0xFFFFE000  }
0x1c: {  	[tilespmem:s21], [sflag:$0x1] =	stream.linear.gather [hbm4b:s9+s6], $0x2000, $0x38;
	[tilespmem:$0x1E600] =	vst v63  }
0x1d: {  	_ =	swait.ge [sflag:s19], $0x2000  }
0x1e: {  	[sflag:s19] =	ssyncset.done $0x0  }
0x1f: {  	s10 =	rddreg [dreg:$0xa];
	[sflag:s19] =	ssyncadd.s32 $0xFFFFE000  }
0x20: {  	[tilespmem:s22], [sflag:$0x1] =	stream.linear.gather [hbm4b:s10+s6], $0x4C00, $0x38;
	[tilespmem:$0x1E600] =	vst v63  }
0x21: {  	_ =	swait.ge [sflag:s19], $0x4C00  }
0x22: {  	[sflag:s19] =	ssyncset.done $0x0  }
0x23: {  	s11 =	rddreg [dreg:$0xb];
	[sflag:s19] =	ssyncadd.s32 $0xFFFFB400  }
0x24: {  	[tilespmem:s23], [sflag:$0x1] =	stream.linear.gather [hbm4b:s11+s6], $0x4C00, $0x38;
	[tilespmem:$0x1E600] =	vst v63  }
0x25: {  	_ =	swait.ge [sflag:s19], $0x4C00  }
0x26: {  	[sflag:s19] =	ssyncset.done $0x0  }
0x27: {  	s13 =	rddreg [dreg:$0xc];
	[sflag:s19] =	ssyncadd.s32 $0xFFFFB400  }
0x28: {  	[tilespmem:s24], [sflag:$0x1] =	stream.linear.gather [hbm4b:s13+s6], $0x4C00, $0x38;
	[tilespmem:$0x1E600] =	vst v63  }
0x29: {  	_ =	swait.ge [sflag:s19], $0x4C00  }
0x2a: {  	[sflag:s19] =	ssyncset.done $0x0  }
0x2b: {  	[sflag:s19] =	ssyncadd.s32 $0xFFFFB400  }
0x2c: {  	s14 =	rddreg [dreg:$0x2]  }
0x2d: {  	[tilespmem:s25], [sflag:$0x1] =	stream.linear.gather [hbm4b:s14+s6], $0x2000, $0x38;
	[tilespmem:$0x1E600] =	vst v63  }
0x2e: {  	_ =	swait.ge [sflag:s19], $0x2000  }
0x2f: {  	[sflag:s19] =	ssyncset.done $0x0  }
0x30: {  	[sflag:s19] =	ssyncadd.s32 $0xFFFFE000  }
0x31: {  	s15 =	rddreg [dreg:$0x3]  }
0x32: {  	[tilespmem:s26], [sflag:$0x1] =	stream.linear.gather [hbm4b:s15+s6], $0x2000, $0x38;
	[tilespmem:$0x1E600] =	vst v63  }
0x33: {  	_ =	swait.ge [sflag:s19], $0x2000  }
0x34: {  	[sflag:s19] =	ssyncset.done $0x0  }
0x35: {  	[sflag:s19] =	ssyncadd.s32 $0xFFFFE000  }
0x36: {  	s18 =	rddreg [dreg:$0x4]  }
0x37: {  	[tilespmem:s28], [sflag:$0x1] =	stream.linear.gather [hbm4b:s18+s6], $0x2000, $0x38;
	[tilespmem:$0x1E600] =	vst v63  }
0x38: {  	_ =	swait.ge [sflag:s19], $0x2000  }
0x39: {  	[sflag:s19] =	ssyncset.done $0x0  }
0x3a: {  	s9 =	simm.s32 $0x0;
	[sflag:s19] =	ssyncadd.s32 $0xFFFFE000  }
.LBB2_2:
0x3b: {  	s11 =	sadd.s32 s17, s9  }
0x3c: {  	s10 =	sshll.u32 s11, $0x4  }
0x3d: {  	s13 =	simm.s32 $0x0;
	s1 =	sadd.s32 s7, s10  }
0x3e: {  	[tilespmem:s29], [sflag:$0x1] =	stream.linear.gather [hbm4b:s1+s13], $0x80, $0x38;
	[tilespmem:$0x1E600] =	vst v63  }
0x3f: {  	_ =	swait.ge [sflag:s19], $0x80  }
0x40: {  	[sflag:s19] =	ssyncset.done $0x0  }
0x41: {  	s15 =	sadd.s32 s8, s10;
	[sflag:s19] =	ssyncadd.s32 $0xFFFFFF80  }
0x42: {  	[tilespmem:s30], [sflag:$0x1] =	stream.linear.gather [hbm4b:s15+s13], $0x80, $0x38;
	[tilespmem:$0x1E600] =	vst v63  }
0x43: {  	_ =	swait.ge [sflag:s19], $0x80  }
0x44: {  	[sflag:s19] =	ssyncset.done $0x0  }
0x45: {  	[sflag:s19] =	ssyncadd.s32 $0xFFFFFF80  }
0x46: {  	s18 =	rddreg [dreg:$0x1]  }
0x47: {  	s1 =	sadd.s32 s18, s10  }
0x48: {  	[tilespmem:s31], [sflag:$0x1] =	stream.linear.gather [hbm4b:s1+s13], $0x80, $0x38;
	[tilespmem:$0x1E600] =	vst v63  }
0x49: {  	_ =	swait.ge [sflag:s19], $0x80  }
0x4a: {  	[sflag:s19] =	ssyncset.done $0x0  }
0x4b: {  	s14 =	simm.s32 $0x1C600;
	[sflag:s19] =	ssyncadd.s32 $0xFFFFFF80  }
.LBB2_3:
0x4c: {  	s15 =	sshll.u32 s13, $0x4  }
0x4d: {  	v3 =	vld [tilespmem:s15+$0x1A480]  }
0x4e: {  	v0 =	vld [tilespmem:s15+$0x1A400]  }
0x4f: {  	v4 =	vld [tilespmem:s15+$0x1A500];
	_ =	sdelay $0x2  }
0x50: {  	v2 =	vmul.f32 $1.270000000e+02, v3  }
0x51: {  	v1 =	vmul.f32 $1.270000000e+02, v0  }
0x52: {  	v9 =	vmul.f32 $1.270000000e+02, v4;
	v6 =	vtrunc.f32 v2  }
0x53: {  	v5 =	vtrunc.f32 v1;
	v6 =	vcvt.f32.s32 v6  }
0x54: {  	v5 =	vcvt.f32.s32 v5  }
0x55: {  	v7 =	vtrunc.f32 v9;
	vm0 =	vgt.s32 v6, $0x0  }
0x56: {  	v8 =	vcvt.f32.s32 v7;
	vm11 =	vgt.s32 v5, $0x0;
	v6 =	vnsel vm0, $0x0, v6  }
0x57: {  	v5 =	vnsel vm11, $0x0, v5;
	v7 =	vmin.u32 v6, $0x7E  }
0x58: {  	vm12 =	vgt.s32 v8, $0x0;
	v6 =	vmin.u32 v5, $0x7E  }
0x59: {  	v5 =	vnsel vm12, $0x0, v8  }
0x5a: {  	v8 =	vmin.u32 v5, $0x7E;
	_ =	sdelay $0x1  }
0x5b: {  	v10 =	vld.idx.msk [tilespmem:v7+s20+$0x0], $0xffff  }
0x5c: {  	v16 =	vmul.f32 $2.990000000e+02, v4;
	v5 =	vmul.f32 $2.990000000e+02, v0;
	v12 =	vld.idx.msk [tilespmem:v6+s6+$0x0], $0xffff  }
0x5d: {  	v0 =	vcvt.s32.f32 v6;
	v11 =	vcvt.s32.f32 v7  }
0x5e: {  	v13 =	vcvt.s32.f32 v8;
	v14 =	vtrunc.f32 v5;
	v15 =	vld.idx.msk [tilespmem:v8+s21+$0x0], $0xffff  }
0x5f: {  	v1 =	vsub.f32 v1, v0;
	v2 =	vsub.f32 v2, v11;
	v14 =	vcvt.f32.s32 v14  }
0x60: {  	v0 =	vsub.f32 v9, v13;
	v9 =	vmul.f32 $2.990000000e+02, v3;
	v3 =	vand.u32 $0xFFFF0000, v10  }
0x61: {  	v11 =	vshll.u32 v12, $0x10;
	v12 =	vand.u32 $0xFFFF0000, v12;
	v10 =	vshll.u32 v10, $0x10  }
0x62: {  	v13 =	vtrunc.f32 v9;
	v12 =	vsub.f32 v12, v11;
	v3 =	vsub.f32 v3, v10  }
0x63: {  	v13 =	vcvt.f32.s32 v13;
	v4 =	vshll.u32 v15, $0x10;
	v15 =	vand.u32 $0xFFFF0000, v15  }
0x64: {  	v15 =	vsub.f32 v15, v4;
	v12 =	vmul.f32 v12, v1;
	v3 =	vmul.f32 v3, v2  }
0x65: {  	v17 =	vtrunc.f32 v16;
	vm13 =	vgt.s32 v14, $0x0;
	vm14 =	vgt.s32 v13, $0x0  }
0x66: {  	v15 =	vmul.f32 v15, v0;
	v11 =	vadd.f32 v11, v12;
	v3 =	vadd.f32 v10, v3  }
0x67: {  	v14 =	vnsel vm13, $0x0, v14;
	v13 =	vnsel vm14, $0x0, v13;
	v10 =	vcvt.f32.s32 v17  }
0x68: {  	v12 =	vmin.u32 v14, $0x12A;
	v4 =	vadd.f32 v4, v15;
	v3 =	vmul.f32 v3, v11  }
0x69: {  	v13 =	vmin.u32 v13, $0x12A;
	vm15 =	vgt.s32 v10, $0x0  }
0x6a: {  	v10 =	vnsel vm15, $0x0, v10;
	v3 =	vmul.f32 v4, v3  }
0x6b: {  	v17 =	vmin.u32 v10, $0x12A  }
0x6c: {  	[tilespmem:s14+$0xFFFFDF80] =	vst v3  }
0x6d: {  	v10 =	vld.idx.msk [tilespmem:v12+s22+$0x0], $0xffff  }
0x6e: {  	v11 =	vld.idx.msk [tilespmem:v13+s23+$0x0], $0xffff  }
0x6f: {  	v4 =	vcvt.s32.f32 v13  }
0x70: {  	v3 =	vcvt.s32.f32 v12;
	v14 =	vld.idx.msk [tilespmem:v17+s24+$0x0], $0xffff  }
0x71: {  	v4 =	vsub.f32 v9, v4  }
0x72: {  	v3 =	vsub.f32 v5, v3;
	v5 =	vcvt.s32.f32 v17;
	v9 =	vshll.u32 v10, $0x10  }
0x73: {  	v10 =	vand.u32 $0xFFFF0000, v10;
	v15 =	vshll.u32 v11, $0x10;
	v11 =	vand.u32 $0xFFFF0000, v11  }
0x74: {  	v10 =	vsub.f32 v10, v9;
	v11 =	vsub.f32 v11, v15  }
0x75: {  	v5 =	vsub.f32 v16, v5;
	v16 =	vshll.u32 v14, $0x10;
	v14 =	vand.u32 $0xFFFF0000, v14  }
0x76: {  	v10 =	vmul.f32 v10, v3;
	v11 =	vmul.f32 v11, v4;
	v14 =	vsub.f32 v14, v16;
	_ =	sdelay $0x1  }
0x77: {  	v9 =	vadd.f32 v9, v10;
	v10 =	vadd.f32 v15, v11;
	v11 =	vmul.f32 v14, v5;
	_ =	sdelay $0x1  }
0x78: {  	v9 =	vmul.f32 v10, v9;
	v10 =	vadd.f32 v16, v11;
	v16 =	vadd.s32 $0x80, v6  }
0x79: {  	v22 =	vadd.s32 $0x80, v7  }
0x7a: {  	v9 =	vmul.f32 v10, v9  }
0x7b: {  	v21 =	vadd.s32 $0x80, v8  }
0x7c: {  	[tilespmem:s14+$0xFFFFFF80] =	vst v9  }
0x7d: {  	v9 =	vld.idx.msk [tilespmem:v16+s6+$0x0], $0xffff  }
0x7e: {  	v10 =	vld.idx.msk [tilespmem:v22+s20+$0x0], $0xffff;
	_ =	sdelay $0x1  }
0x7f: {  	v11 =	vld.idx.msk [tilespmem:v21+s21+$0x0], $0xffff;
	_ =	sdelay $0x1  }
0x80: {  	v19 =	vadd.s32 $0x1, v7;
	v15 =	vshll.u32 v9, $0x10  }
0x81: {  	v9 =	vand.u32 $0xFFFF0000, v9;
	v18 =	vshll.u32 v10, $0x10;
	v10 =	vand.u32 $0xFFFF0000, v10  }
0x82: {  	v14 =	vadd.s32 $0x1, v8;
	v9 =	vsub.f32 v9, v15;
	v10 =	vsub.f32 v10, v18  }
0x83: {  	v23 =	vadd.s32 $0x1, v6;
	v20 =	vshll.u32 v11, $0x10;
	v11 =	vand.u32 $0xFFFF0000, v11  }
0x84: {  	v11 =	vsub.f32 v11, v20;
	v9 =	vmul.f32 v9, v1;
	v10 =	vmul.f32 v10, v2;
	_ =	sdelay $0x1  }
0x85: {  	v11 =	vmul.f32 v11, v0;
	v9 =	vadd.f32 v15, v9;
	v10 =	vadd.f32 v18, v10  }
0x86: {  	v14 =	vld.idx.msk [tilespmem:v14+s28+$0x0], $0xffff  }
0x87: {  	v15 =	vld.idx.msk [tilespmem:v19+s26+$0x0], $0xffff;
	v19 =	vadd.s32 $0x130, v13;
	v9 =	vmul.f32 v10, v9;
	v10 =	vadd.f32 v20, v11  }
0x88: {  	v23 =	vld.idx.msk [tilespmem:v23+s25+$0x0], $0xffff;
	v11 =	vadd.s32 $0x130, v12  }
0x89: {  	v24 =	vld.idx.msk [tilespmem:v6+s25+$0x0], $0xffff;
	v9 =	vmul.f32 v10, v9  }
0x8a: {  	v18 =	vld.idx.msk [tilespmem:v8+s28+$0x0], $0xffff;
	v10 =	vadd.s32 $0x130, v17  }
0x8b: {  	v20 =	vld.idx.msk [tilespmem:v7+s26+$0x0], $0xffff;
	[tilespmem:s14+$0xFFFFE000] =	vst v9  }
0x8c: {  	v9 =	vld.idx.msk [tilespmem:v19+s23+$0x0], $0xffff  }
0x8d: {  	v11 =	vld.idx.msk [tilespmem:v11+s22+$0x0], $0xffff;
	_ =	sdelay $0x1  }
0x8e: {  	v10 =	vld.idx.msk [tilespmem:v10+s24+$0x0], $0xffff;
	_ =	sdelay $0x1  }
0x8f: {  	v19 =	vshll.u32 v9, $0x10  }
0x90: {  	v9 =	vand.u32 $0xFFFF0000, v9;
	v25 =	vshll.u32 v11, $0x10;
	v11 =	vand.u32 $0xFFFF0000, v11  }
0x91: {  	v9 =	vsub.f32 v9, v19;
	v11 =	vsub.f32 v11, v25  }
0x92: {  	v26 =	vshll.u32 v10, $0x10;
	v10 =	vand.u32 $0xFFFF0000, v10  }
0x93: {  	v9 =	vmul.f32 v9, v4;
	v11 =	vmul.f32 v11, v3;
	v10 =	vsub.f32 v10, v26;
	_ =	sdelay $0x1  }
0x94: {  	v9 =	vadd.f32 v19, v9;
	v19 =	vadd.f32 v25, v11;
	v10 =	vmul.f32 v10, v5  }
0x95: {  	v23 =	vsub.f32 v23, v24  }
0x96: {  	v25 =	vsub.f32 v15, v20;
	v9 =	vmul.f32 v9, v19;
	v19 =	vadd.f32 v26, v10  }
0x97: {  	v23 =	vmul.f32 v23, v1;
	v14 =	vsub.f32 v14, v18;
	v11 =	vadd.s32 $0x100, v7  }
0x98: {  	v10 =	vadd.s32 $0x100, v8;
	v9 =	vmul.f32 v19, v9;
	v19 =	vmul.f32 v25, v2  }
0x99: {  	v15 =	vadd.s32 $0x100, v6  }
0x9a: {  	v23 =	vadd.f32 v23, v24;
	v25 =	vmul.f32 v14, v0;
	v19 =	vadd.f32 v19, v20  }
0x9b: {  	v14 =	vadd.s32 $0x260, v12;
	[tilespmem:s14+$0x0] =	vst v9;
	v9 =	vadd.s32 $0x81, v6  }
0x9c: {  	v12 =	vadd.s32 $0x260, v17;
	v18 =	vadd.f32 v25, v18;
	v28 =	vld.idx.msk [tilespmem:v11+s20+$0x0], $0xffff;
	v17 =	vmul.f32 v19, v23  }
0x9d: {  	v30 =	vadd.s32 $0x81, v7;
	v27 =	vld.idx.msk [tilespmem:v10+s21+$0x0], $0xffff  }
0x9e: {  	v29 =	vadd.s32 $0x81, v8;
	v24 =	vadd.s32 $0x100, v11;
	v25 =	vadd.s32 $0x100, v10;
	v31 =	vld.idx.msk [tilespmem:v15+s6+$0x0], $0xffff  }
0x9f: {  	s4 =	sadd.s32 $0x100, s14;
	v13 =	vadd.s32 $0x260, v13;
	v8 =	vmovc v24;
	v6 =	vimm.f32 $0.0e+00;
	v20 =	vld.idx.msk [tilespmem:v16+s25+$0x0], $0xffff;
	v7 =	vmovc v25;
	v23 =	vadd.s32 $0x100, v15  }
0xa0: {  	s1 =	simm.s32 $0x4;
	s18 =	smov.u32 s4;
	v16 =	vmul.f32 v18, v17;
	v19 =	vmovc v13;
	v18 =	vmovc v12;
	v26 =	vld.idx.msk [tilespmem:v9+s25+$0x0], $0xffff;
	v9 =	vmov v23;
	v17 =	vmov v14  }
.LBB2_4:
0xa1: {  	s1 =	sadd.s32 $0x2, s1;
	v14 =	vadd.s32 $0x260, v14;
	v13 =	vadd.s32 $0x260, v13;
	v12 =	vadd.s32 $0x260, v12;
	s4 =	sadd.s32 $0x100, s4;
	v22 =	vld.idx.msk [tilespmem:v22+s26+$0x0], $0xffff  }
0xa2: {  	p0 =	slt.u32 s1, $0x3E;
	v30 =	vld.idx.msk [tilespmem:v30+s26+$0x0], $0xffff  }
0xa3: {  	v32 =	vand.u32 $0xFFFF0000, v28;
	v33 =	vshll.u32 v27, $0x10;
	v21 =	vld.idx.msk [tilespmem:v21+s28+$0x0], $0xffff  }
0xa4: {  	v28 =	vshll.u32 v28, $0x10;
	v34 =	vshll.u32 v31, $0x10;
	v31 =	vand.u32 $0xFFFF0000, v31;
	v29 =	vld.idx.msk [tilespmem:v29+s28+$0x0], $0xffff  }
0xa5: {  	v32 =	vsub.f32 v32, v28;
	v27 =	vand.u32 $0xFFFF0000, v27;
	v31 =	vsub.f32 v31, v34  }
0xa6: {  	v27 =	vsub.f32 v27, v33;
	v26 =	vsub.f32 v26, v20  }
0xa7: {  	v32 =	vmul.f32 v32, v2;
	v31 =	vmul.f32 v31, v1  }
0xa8: {  	v27 =	vmul.f32 v27, v0;
	v26 =	vmul.f32 v26, v1;
	v30 =	vsub.f32 v30, v22  }
0xa9: {  	v28 =	vadd.f32 v28, v32;
	v31 =	vadd.f32 v34, v31  }
0xaa: {  	v27 =	vadd.f32 v33, v27;
	v20 =	vadd.f32 v26, v20;
	v26 =	vmul.f32 v30, v2  }
0xab: {  	v29 =	vsub.f32 v29, v21;
	v28 =	vmul.f32 v28, v31  }
0xac: {  	v22 =	vadd.f32 v26, v22  }
0xad: {  	v26 =	vmul.f32 v27, v28;
	v27 =	vmul.f32 v29, v0  }
0xae: {  	v20 =	vmul.f32 v22, v20  }
0xaf: {  	v21 =	vadd.f32 v27, v21;
	[tilespmem:s18+$0xFFFFDF80] =	vst v26  }
0xb0: {  	v22 =	vld.idx.msk [tilespmem:v17+s22+$0x0], $0xffff  }
0xb1: {  	v6 =	vadd.f32 v16, v6;
	v16 =	vmul.f32 v21, v20;
	v26 =	vld.idx.msk [tilespmem:v19+s23+$0x0], $0xffff;
	_ =	sdelay $0x1  }
0xb2: {  	v6 =	vadd.f32 v16, v6;
	v20 =	vld.idx.msk [tilespmem:v18+s24+$0x0], $0xffff;
	_ =	sdelay $0x2  }
0xb3: {  	v16 =	vshll.u32 v22, $0x10;
	v21 =	vand.u32 $0xFFFF0000, v22  }
0xb4: {  	v21 =	vsub.f32 v21, v16;
	v22 =	vshll.u32 v26, $0x10;
	v26 =	vand.u32 $0xFFFF0000, v26  }
0xb5: {  	v26 =	vsub.f32 v26, v22  }
0xb6: {  	v21 =	vmul.f32 v21, v3;
	v27 =	vshll.u32 v20, $0x10;
	v20 =	vand.u32 $0xFFFF0000, v20  }
0xb7: {  	v26 =	vmul.f32 v26, v4;
	v20 =	vsub.f32 v20, v27  }
0xb8: {  	v16 =	vadd.f32 v16, v21  }
0xb9: {  	v21 =	vadd.f32 v22, v26;
	v20 =	vmul.f32 v20, v5;
	_ =	sdelay $0x1  }
0xba: {  	v16 =	vmul.f32 v21, v16;
	v21 =	vadd.f32 v27, v20;
	v20 =	vadd.s32 $0x80, v15  }
0xbb: {  	v22 =	vadd.s32 $0x80, v11  }
0xbc: {  	v16 =	vmul.f32 v21, v16  }
0xbd: {  	v21 =	vadd.s32 $0x80, v10  }
0xbe: {  	[tilespmem:s18+$0xFFFFFF80] =	vst v16  }
0xbf: {  	v16 =	vld.idx.msk [tilespmem:v20+s6+$0x0], $0xffff  }
0xc0: {  	v26 =	vld.idx.msk [tilespmem:v22+s20+$0x0], $0xffff;
	_ =	sdelay $0x1  }
0xc1: {  	v27 =	vld.idx.msk [tilespmem:v21+s21+$0x0], $0xffff;
	_ =	sdelay $0x2  }
0xc2: {  	v28 =	vadd.s32 $0x1, v10;
	v29 =	vshll.u32 v16, $0x10;
	v16 =	vand.u32 $0xFFFF0000, v16  }
0xc3: {  	v16 =	vsub.f32 v16, v29;
	v30 =	vshll.u32 v26, $0x10;
	v26 =	vand.u32 $0xFFFF0000, v26  }
0xc4: {  	v31 =	vadd.s32 $0x1, v11;
	v26 =	vsub.f32 v26, v30  }
0xc5: {  	v16 =	vmul.f32 v16, v1;
	v32 =	vshll.u32 v27, $0x10;
	v27 =	vand.u32 $0xFFFF0000, v27  }
0xc6: {  	v26 =	vmul.f32 v26, v2;
	v27 =	vsub.f32 v27, v32  }
0xc7: {  	v33 =	vadd.s32 $0x1, v15;
	v16 =	vadd.f32 v29, v16  }
0xc8: {  	v26 =	vadd.f32 v30, v26;
	v27 =	vmul.f32 v27, v0;
	v28 =	vld.idx.msk [tilespmem:v28+s28+$0x0], $0xffff  }
0xc9: {  	v29 =	vld.idx.msk [tilespmem:v10+s28+$0x0], $0xffff  }
0xca: {  	v16 =	vmul.f32 v26, v16;
	v26 =	vadd.f32 v32, v27;
	v30 =	vld.idx.msk [tilespmem:v31+s26+$0x0], $0xffff;
	v31 =	vadd.s32 $0x130, v19;
	v19 =	vmovc v13  }
0xcb: {  	v32 =	vadd.s32 $0x130, v17;
	v17 =	vmov v14;
	v27 =	vld.idx.msk [tilespmem:v11+s26+$0x0], $0xffff  }
0xcc: {  	v34 =	vadd.s32 $0x130, v18;
	v18 =	vmov v12;
	v16 =	vmul.f32 v26, v16;
	v33 =	vld.idx.msk [tilespmem:v33+s25+$0x0], $0xffff  }
0xcd: {  	v26 =	vld.idx.msk [tilespmem:v15+s25+$0x0], $0xffff  }
0xce: {  	[tilespmem:s18+$0xFFFFE000] =	vst v16  }
0xcf: {  	v16 =	vsub.f32 v28, v29;
	v28 =	vld.idx.msk [tilespmem:v31+s23+$0x0], $0xffff  }
0xd0: {  	v31 =	vld.idx.msk [tilespmem:v32+s22+$0x0], $0xffff  }
0xd1: {  	v30 =	vsub.f32 v30, v27;
	v32 =	vld.idx.msk [tilespmem:v34+s24+$0x0], $0xffff  }
0xd2: {  	v23 =	vadd.s32 $0x100, v23  }
0xd3: {  	v33 =	vsub.f32 v33, v26;
	v30 =	vmul.f32 v30, v2  }
0xd4: {  	v24 =	vadd.s32 $0x100, v24;
	v16 =	vmul.f32 v16, v0  }
0xd5: {  	v33 =	vmul.f32 v33, v1;
	v34 =	vshll.u32 v28, $0x10;
	v28 =	vand.u32 $0xFFFF0000, v28  }
0xd6: {  	v35 =	vshll.u32 v31, $0x10;
	v31 =	vand.u32 $0xFFFF0000, v31;
	v28 =	vsub.f32 v28, v34  }
0xd7: {  	v26 =	vadd.f32 v33, v26;
	v31 =	vsub.f32 v31, v35;
	v33 =	vshll.u32 v32, $0x10  }
0xd8: {  	v27 =	vadd.f32 v30, v27;
	v30 =	vand.u32 $0xFFFF0000, v32;
	v28 =	vmul.f32 v28, v4  }
0xd9: {  	v25 =	vadd.s32 $0x100, v25;
	v30 =	vsub.f32 v30, v33;
	v31 =	vmul.f32 v31, v3  }
0xda: {  	v16 =	vadd.f32 v16, v29;
	v26 =	vmul.f32 v27, v26;
	v27 =	vadd.f32 v34, v28  }
0xdb: {  	v29 =	vmul.f32 v30, v5;
	v28 =	vadd.f32 v35, v31  }
0xdc: {  	v16 =	vmul.f32 v16, v26  }
0xdd: {  	v26 =	vmul.f32 v27, v28;
	v27 =	vadd.f32 v33, v29;
	_ =	sdelay $0x1  }
0xde: {  	v26 =	vmul.f32 v27, v26;
	_ =	sdelay $0x1  }
0xdf: {  	[tilespmem:s18+$0x0] =	vst v26;
	v26 =	vadd.s32 $0x81, v15;
	v15 =	vmov v9;
	s18 =	smov.u32 s4  }
.Ltmp0:
0xe0: {  	v28 =	vld.idx.msk [tilespmem:v8+s20+$0x0], $0xffff;
	(pc) =	sbr.rel @p0 .LBB2_4-.Ltmp0, $4  }
0xe1: {  	v30 =	vadd.s32 $0x81, v11;
	v11 =	vmov v8;
	v8 =	vmov v24;
	v27 =	vld.idx.msk [tilespmem:v7+s21+$0x0], $0xffff  }
0xe2: {  	v31 =	vld.idx.msk [tilespmem:v9+s6+$0x0], $0xffff;
	v9 =	vmov v23  }
0xe3: {  	v29 =	vadd.s32 $0x81, v10;
	v10 =	vmov v7;
	v7 =	vmov v25;
	v20 =	vld.idx.msk [tilespmem:v20+s25+$0x0], $0xffff  }
0xe4: {  	v26 =	vld.idx.msk [tilespmem:v26+s25+$0x0], $0xffff  }
0xe5: {  	_ = 	snop  }
0xe6: {  	v23 =	vand.u32 $0xFFFF0000, v28  }
0xe7: {  	v35 =	vshll.u32 v28, $0x10;
	v24 =	vshll.u32 v31, $0x10;
	v25 =	vand.u32 $0xFFFF0000, v31  }
0xe8: {  	v23 =	vsub.f32 v23, v35;
	v25 =	vsub.f32 v25, v24  }
0xe9: {  	v36 =	vshll.u32 v27, $0x10;
	v37 =	vand.u32 $0xFFFF0000, v27  }
0xea: {  	v27 =	vsub.f32 v37, v36;
	v23 =	vmul.f32 v23, v2;
	v25 =	vmul.f32 v25, v1;
	_ =	sdelay $0x1  }
0xeb: {  	v27 =	vmul.f32 v27, v0;
	v23 =	vadd.f32 v35, v23;
	v24 =	vadd.f32 v24, v25;
	_ =	sdelay $0x1  }
0xec: {  	v38 =	vadd.f32 v36, v27;
	v23 =	vmul.f32 v23, v24  }
0xed: {  	v22 =	vld.idx.msk [tilespmem:v22+s26+$0x0], $0xffff  }
0xee: {  	v21 =	vld.idx.msk [tilespmem:v21+s28+$0x0], $0xffff;
	v25 =	vmul.f32 v38, v23  }
0xef: {  	v24 =	vld.idx.msk [tilespmem:v30+s26+$0x0], $0xffff  }
0xf0: {  	v23 =	vld.idx.msk [tilespmem:v29+s28+$0x0], $0xffff;
	[tilespmem:s18+$0xFFFFDF80] =	vst v25  }
0xf1: {  	v25 =	vld.idx.msk [tilespmem:v17+s22+$0x0], $0xffff  }
0xf2: {  	v39 =	vld.idx.msk [tilespmem:v19+s23+$0x0], $0xffff;
	_ =	sdelay $0x1  }
0xf3: {  	v40 =	vld.idx.msk [tilespmem:v18+s24+$0x0], $0xffff;
	_ =	sdelay $0x1  }
0xf4: {  	v41 =	vshll.u32 v25, $0x10  }
0xf5: {  	v25 =	vand.u32 $0xFFFF0000, v25;
	v42 =	vshll.u32 v39, $0x10;
	v27 =	vand.u32 $0xFFFF0000, v39  }
0xf6: {  	v25 =	vsub.f32 v25, v41;
	v27 =	vsub.f32 v27, v42  }
0xf7: {  	v43 =	vshll.u32 v40, $0x10;
	v28 =	vand.u32 $0xFFFF0000, v40  }
0xf8: {  	v28 =	vsub.f32 v28, v43;
	v25 =	vmul.f32 v25, v3;
	v27 =	vmul.f32 v27, v4;
	_ =	sdelay $0x1  }
0xf9: {  	v28 =	vmul.f32 v28, v5;
	v25 =	vadd.f32 v41, v25;
	v27 =	vadd.f32 v42, v27;
	_ =	sdelay $0x1  }
0xfa: {  	v45 =	vadd.s32 $0x80, v15;
	v44 =	vadd.f32 v43, v28;
	v25 =	vmul.f32 v27, v25  }
0xfb: {  	v46 =	vadd.s32 $0x80, v11  }
0xfc: {  	v25 =	vmul.f32 v44, v25  }
0xfd: {  	v32 =	vadd.s32 $0x80, v10  }
0xfe: {  	[tilespmem:s18+$0xFFFFFF80] =	vst v25  }
0xff: {  	v25 =	vld.idx.msk [tilespmem:v45+s6+$0x0], $0xffff  }
0x100: {  	v47 =	vld.idx.msk [tilespmem:v46+s20+$0x0], $0xffff;
	_ =	sdelay $0x1  }
0x101: {  	v48 =	vld.idx.msk [tilespmem:v32+s21+$0x0], $0xffff;
	_ =	sdelay $0x1  }
0x102: {  	v33 =	vshll.u32 v25, $0x10  }
0x103: {  	v25 =	vand.u32 $0xFFFF0000, v25;
	v34 =	vshll.u32 v47, $0x10;
	v27 =	vand.u32 $0xFFFF0000, v47  }
0x104: {  	v25 =	vsub.f32 v25, v33;
	v27 =	vsub.f32 v27, v34  }
0x105: {  	v38 =	vadd.s32 $0x1, v15;
	v36 =	vshll.u32 v48, $0x10;
	v28 =	vand.u32 $0xFFFF0000, v48  }
0x106: {  	v28 =	vsub.f32 v28, v36;
	v25 =	vmul.f32 v25, v1;
	v37 =	vmul.f32 v27, v2  }
0x107: {  	v49 =	vadd.s32 $0x1, v10;
	v35 =	vadd.s32 $0x1, v11  }
0x108: {  	v51 =	vmul.f32 v28, v0;
	v33 =	vadd.f32 v33, v25;
	v50 =	vadd.f32 v34, v37  }
0x109: {  	v52 =	vadd.s32 $0x130, v19;
	v19 =	vld.idx.msk [tilespmem:v11+s26+$0x0], $0xffff  }
0x10a: {  	v29 =	vld.idx.msk [tilespmem:v38+s25+$0x0], $0xffff;
	v34 =	vadd.f32 v36, v51;
	v33 =	vmul.f32 v50, v33  }
0x10b: {  	v53 =	vadd.s32 $0x130, v17;
	v17 =	vld.idx.msk [tilespmem:v15+s25+$0x0], $0xffff  }
0x10c: {  	v27 =	vld.idx.msk [tilespmem:v49+s28+$0x0], $0xffff;
	v33 =	vmul.f32 v34, v33  }
0x10d: {  	v54 =	vadd.s32 $0x130, v18;
	v28 =	vld.idx.msk [tilespmem:v35+s26+$0x0], $0xffff  }
0x10e: {  	v25 =	vld.idx.msk [tilespmem:v10+s28+$0x0], $0xffff;
	[tilespmem:s18+$0xFFFFE000] =	vst v33  }
0x10f: {  	v33 =	vld.idx.msk [tilespmem:v52+s23+$0x0], $0xffff  }
0x110: {  	v55 =	vld.idx.msk [tilespmem:v53+s22+$0x0], $0xffff;
	_ =	sdelay $0x1  }
0x111: {  	v18 =	vld.idx.msk [tilespmem:v54+s24+$0x0], $0xffff;
	_ =	sdelay $0x1  }
0x112: {  	v35 =	vshll.u32 v33, $0x10  }
0x113: {  	v33 =	vand.u32 $0xFFFF0000, v33;
	v36 =	vshll.u32 v55, $0x10;
	v34 =	vand.u32 $0xFFFF0000, v55  }
0x114: {  	v33 =	vsub.f32 v33, v35;
	v34 =	vsub.f32 v34, v36  }
0x115: {  	v56 =	vshll.u32 v18, $0x10;
	v18 =	vand.u32 $0xFFFF0000, v18  }
0x116: {  	v18 =	vsub.f32 v18, v56;
	v33 =	vmul.f32 v33, v4;
	v34 =	vmul.f32 v34, v3;
	_ =	sdelay $0x1  }
0x117: {  	v18 =	vmul.f32 v18, v5;
	v33 =	vadd.f32 v35, v33;
	v34 =	vadd.f32 v36, v34;
	_ =	sdelay $0x1  }
0x118: {  	v18 =	vadd.f32 v56, v18;
	v33 =	vmul.f32 v33, v34;
	_ =	sdelay $0x1  }
0x119: {  	v18 =	vmul.f32 v18, v33;
	_ =	sdelay $0x1  }
0x11a: {  	[tilespmem:s18+$0x0] =	vst v18  }
0x11b: {  	v18 =	vld.idx.msk [tilespmem:v8+s20+$0x0], $0xffff  }
0x11c: {  	v57 =	vld.idx.msk [tilespmem:v9+s6+$0x0], $0xffff;
	_ =	sdelay $0x1  }
0x11d: {  	v58 =	vld.idx.msk [tilespmem:v7+s21+$0x0], $0xffff;
	_ =	sdelay $0x1  }
0x11e: {  	v59 =	vand.u32 $0xFFFF0000, v18  }
0x11f: {  	v60 =	vshll.u32 v57, $0x10;
	v33 =	vand.u32 $0xFFFF0000, v57;
	v18 =	vshll.u32 v18, $0x10  }
0x120: {  	v33 =	vsub.f32 v33, v60;
	v35 =	vsub.f32 v59, v18  }
0x121: {  	v61 =	vadd.s32 $0x81, v15;
	v63 =	vshll.u32 v58, $0x10;
	v34 =	vand.u32 $0xFFFF0000, v58  }
0x122: {  	v34 =	vsub.f32 v34, v63;
	v33 =	vmul.f32 v33, v1;
	v35 =	vmul.f32 v35, v2  }
0x123: {  	v62 =	vadd.s32 $0x81, v11  }
0x124: {  	v41 =	vmul.f32 v34, v0;
	v33 =	vadd.f32 v60, v33;
	v18 =	vadd.f32 v18, v35  }
0x125: {  	v40 =	vadd.s32 $0x81, v10;
	v10 =	vld.idx.msk [tilespmem:v45+s25+$0x0], $0xffff  }
0x126: {  	v14 =	vadd.s32 $0x260, v14;
	v15 =	vld.idx.msk [tilespmem:v61+s25+$0x0], $0xffff;
	v30 =	vadd.f32 v63, v41;
	v18 =	vmul.f32 v18, v33  }
0x127: {  	v13 =	vadd.s32 $0x260, v13;
	v31 =	vld.idx.msk [tilespmem:v46+s26+$0x0], $0xffff  }
0x128: {  	v11 =	vld.idx.msk [tilespmem:v62+s26+$0x0], $0xffff;
	v18 =	vmul.f32 v30, v18  }
0x129: {  	v12 =	vadd.s32 $0x260, v12;
	s1 =	sadd.s32 $0x100, s4;
	v32 =	vld.idx.msk [tilespmem:v32+s28+$0x0], $0xffff  }
0x12a: {  	v30 =	vld.idx.msk [tilespmem:v40+s28+$0x0], $0xffff;
	[tilespmem:s1+$0xFFFFDF80] =	vst v18  }
0x12b: {  	v18 =	vld.idx.msk [tilespmem:v14+s22+$0x0], $0xffff  }
0x12c: {  	v42 =	vld.idx.msk [tilespmem:v13+s23+$0x0], $0xffff;
	_ =	sdelay $0x1  }
0x12d: {  	v43 =	vld.idx.msk [tilespmem:v12+s24+$0x0], $0xffff;
	_ =	sdelay $0x1  }
0x12e: {  	v44 =	vshll.u32 v18, $0x10  }
0x12f: {  	v18 =	vand.u32 $0xFFFF0000, v18;
	v45 =	vshll.u32 v42, $0x10;
	v33 =	vand.u32 $0xFFFF0000, v42  }
0x130: {  	v18 =	vsub.f32 v18, v44;
	v33 =	vsub.f32 v33, v45  }
0x131: {  	v46 =	vshll.u32 v43, $0x10;
	v34 =	vand.u32 $0xFFFF0000, v43  }
0x132: {  	v34 =	vsub.f32 v34, v46;
	v18 =	vmul.f32 v18, v3;
	v33 =	vmul.f32 v33, v4;
	_ =	sdelay $0x1  }
0x133: {  	v34 =	vmul.f32 v34, v5;
	v18 =	vadd.f32 v44, v18;
	v33 =	vadd.f32 v45, v33;
	_ =	sdelay $0x1  }
0x134: {  	v48 =	vadd.s32 $0x80, v9;
	v47 =	vadd.f32 v46, v34;
	v18 =	vmul.f32 v33, v18  }
0x135: {  	v49 =	vadd.s32 $0x80, v8  }
0x136: {  	v18 =	vmul.f32 v47, v18  }
0x137: {  	v33 =	vadd.s32 $0x80, v7  }
0x138: {  	[tilespmem:s1+$0xFFFFFF80] =	vst v18  }
0x139: {  	v18 =	vld.idx.msk [tilespmem:v48+s6+$0x0], $0xffff  }
0x13a: {  	v50 =	vld.idx.msk [tilespmem:v49+s20+$0x0], $0xffff;
	_ =	sdelay $0x1  }
0x13b: {  	v51 =	vld.idx.msk [tilespmem:v33+s21+$0x0], $0xffff;
	_ =	sdelay $0x1  }
0x13c: {  	v39 =	vshll.u32 v18, $0x10  }
0x13d: {  	v18 =	vand.u32 $0xFFFF0000, v18;
	v40 =	vshll.u32 v50, $0x10;
	v36 =	vand.u32 $0xFFFF0000, v50  }
0x13e: {  	v52 =	vadd.s32 $0x1, v7;
	v18 =	vsub.f32 v18, v39;
	v36 =	vsub.f32 v36, v40  }
0x13f: {  	v41 =	vadd.s32 $0x1, v8;
	v42 =	vshll.u32 v51, $0x10;
	v37 =	vand.u32 $0xFFFF0000, v51  }
0x140: {  	v37 =	vsub.f32 v37, v42;
	v18 =	vmul.f32 v18, v1;
	v36 =	vmul.f32 v36, v2  }
0x141: {  	v43 =	vadd.s32 $0x1, v9  }
0x142: {  	v37 =	vmul.f32 v37, v0;
	v18 =	vadd.f32 v39, v18;
	v36 =	vadd.f32 v40, v36  }
0x143: {  	v38 =	vld.idx.msk [tilespmem:v52+s28+$0x0], $0xffff  }
0x144: {  	v13 =	vadd.s32 $0x130, v13;
	v39 =	vld.idx.msk [tilespmem:v7+s28+$0x0], $0xffff;
	v53 =	vadd.f32 v42, v37;
	v18 =	vmul.f32 v36, v18  }
0x145: {  	v14 =	vadd.s32 $0x130, v14;
	v40 =	vld.idx.msk [tilespmem:v41+s26+$0x0], $0xffff  }
0x146: {  	v37 =	vld.idx.msk [tilespmem:v8+s26+$0x0], $0xffff;
	v18 =	vmul.f32 v53, v18  }
0x147: {  	v12 =	vadd.s32 $0x130, v12;
	v41 =	vld.idx.msk [tilespmem:v43+s25+$0x0], $0xffff  }
0x148: {  	v36 =	vld.idx.msk [tilespmem:v9+s25+$0x0], $0xffff;
	[tilespmem:s1+$0xFFFFE000] =	vst v18  }
0x149: {  	v13 =	vld.idx.msk [tilespmem:v13+s23+$0x0], $0xffff  }
0x14a: {  	v14 =	vld.idx.msk [tilespmem:v14+s22+$0x0], $0xffff;
	_ =	sdelay $0x1  }
0x14b: {  	v12 =	vld.idx.msk [tilespmem:v12+s24+$0x0], $0xffff;
	_ =	sdelay $0x1  }
0x14c: {  	v24 =	vsub.f32 v24, v22;
	v55 =	vshll.u32 v13, $0x10  }
0x14d: {  	v13 =	vand.u32 $0xFFFF0000, v13;
	v56 =	vshll.u32 v14, $0x10;
	v14 =	vand.u32 $0xFFFF0000, v14  }
0x14e: {  	v13 =	vsub.f32 v13, v55;
	v14 =	vsub.f32 v14, v56  }
0x14f: {  	v54 =	vsub.f32 v26, v20;
	v57 =	vshll.u32 v12, $0x10;
	v12 =	vand.u32 $0xFFFF0000, v12  }
0x150: {  	v12 =	vsub.f32 v12, v57;
	v58 =	vmul.f32 v13, v4;
	v59 =	vmul.f32 v14, v3  }
0x151: {  	v61 =	vmul.f32 v24, v2;
	v60 =	vmul.f32 v54, v1  }
0x152: {  	v62 =	vmul.f32 v12, v5;
	v4 =	vadd.f32 v55, v58;
	v3 =	vadd.f32 v56, v59  }
0x153: {  	v11 =	vsub.f32 v11, v31;
	v63 =	vadd.f32 v60, v20  }
0x154: {  	v18 =	vadd.f32 v61, v22;
	v20 =	vadd.f32 v57, v62;
	v3 =	vmul.f32 v4, v3  }
0x155: {  	v22 =	vsub.f32 v23, v21;
	v23 =	vsub.f32 v28, v19;
	v28 =	vadd.s32 $0x81, v9  }
0x156: {  	v6 =	vadd.f32 v16, v6;
	v24 =	vsub.f32 v29, v17;
	v3 =	vmul.f32 v20, v3  }
0x157: {  	v29 =	vsub.f32 v27, v25;
	v11 =	vmul.f32 v11, v2;
	v42 =	vadd.s32 $0x81, v8  }
0x158: {  	v45 =	vadd.s32 $0x81, v7;
	v13 =	vmul.f32 v23, v2;
	v14 =	vmul.f32 v24, v1;
	[tilespmem:s1+$0x0] =	vst v3  }
0x159: {  	v47 =	vsub.f32 v30, v32;
	v50 =	vadd.f32 v11, v31;
	v26 =	vmul.f32 v22, v0;
	v44 =	vld.idx.msk [tilespmem:v48+s25+$0x0], $0xffff  }
0x15a: {  	v9 =	vmul.f32 v29, v0;
	v14 =	vadd.f32 v14, v17;
	v13 =	vadd.f32 v13, v19;
	v5 =	vld.idx.msk [tilespmem:v28+s25+$0x0], $0xffff  }
0x15b: {  	v54 =	vsub.f32 v41, v36;
	v12 =	vmul.f32 v18, v63;
	v4 =	vadd.f32 v26, v21;
	v48 =	vld.idx.msk [tilespmem:v49+s26+$0x0], $0xffff  }
0x15c: {  	v43 =	vsub.f32 v15, v10;
	v53 =	vsub.f32 v40, v37;
	v46 =	vmul.f32 v13, v14;
	v8 =	vld.idx.msk [tilespmem:v42+s26+$0x0], $0xffff  }
0x15d: {  	v9 =	vadd.f32 v9, v25;
	v13 =	vmul.f32 v54, v1;
	v4 =	vmul.f32 v4, v12;
	v52 =	vld.idx.msk [tilespmem:v33+s28+$0x0], $0xffff  }
0x15e: {  	v55 =	vsub.f32 v38, v39;
	v12 =	vmul.f32 v53, v2;
	v3 =	vmul.f32 v43, v1;
	v7 =	vld.idx.msk [tilespmem:v45+s28+$0x0], $0xffff  }
0x15f: {  	v51 =	vmul.f32 v47, v0;
	v56 =	vadd.f32 v13, v36;
	v4 =	vadd.f32 v4, v6  }
0x160: {  	v6 =	vmul.f32 v55, v0;
	v12 =	vadd.f32 v12, v37;
	v3 =	vadd.f32 v3, v10  }
0x161: {  	v49 =	vmul.f32 v9, v46;
	v5 =	vsub.f32 v5, v44;
	v8 =	vsub.f32 v8, v48  }
0x162: {  	v10 =	vadd.f32 v51, v32;
	v60 =	vmul.f32 v12, v56;
	v3 =	vmul.f32 v50, v3  }
0x163: {  	v59 =	vsub.f32 v7, v52;
	v57 =	vmul.f32 v5, v1;
	v58 =	vmul.f32 v8, v2  }
0x164: {  	v6 =	vadd.f32 v6, v39;
	v4 =	vadd.f32 v49, v4;
	v3 =	vmul.f32 v10, v3  }
0x165: {  	v61 =	vmul.f32 v59, v0;
	v1 =	vadd.f32 v57, v44;
	v2 =	vadd.f32 v58, v48  }
0x166: {  	v62 =	vmul.f32 v6, v60  }
0x167: {  	s13 =	sadd.s32 $0x1, s13;
	v3 =	vadd.f32 v3, v4;
	v0 =	vadd.f32 v61, v52;
	v1 =	vmul.f32 v2, v1  }
0x168: {  	p0 =	sne.s32 s13, $0x8  }
.Ltmp1:
0x169: {  	v63 =	vadd.f32 v62, v3;
	v0 =	vmul.f32 v0, v1;
	(pc) =	sbr.rel @p0 .LBB2_3-.Ltmp1, $3  }
0x16a: {  	_ = 	snop  }
0x16b: {  	v0 =	vadd.f32 v0, v63;
	_ =	sdelay $0x1  }
0x16c: {  	s14 =	sadd.s32 $0x10, s14;
	[tilespmem:s15+$0x1E580] =	vst v0  }
0x16d: {  	s1 =	sshll.u32 s11, $0x7  }
0x16e: {  	s1 =	sadd.s32 s16, s1  }
0x16f: {  	[hbm4b:s1+s0] =	stream.strided.scatter [tilespmem:s2], [sflag:$0x1], $0x4000, s12, s0, $0x38;
	[tilespmem:$0x1E600] =	vst v63  }
0x170: {  	s9 =	sadd.s32 $0x1, s9;
	_ =	swait.ge [sflag:s19], $0x4000  }
0x171: {  	p0 =	sne.s32 s9, $0x40;
	[sflag:s19] =	ssyncset.done $0x0  }
.Ltmp2:
0x172: {  	s18 =	sadd.s32 s5, s10;
	[sflag:s19] =	ssyncadd.s32 $0xFFFFC000;
	(pc) =	sbr.rel @p0 .LBB2_2-.Ltmp2, $4  }
0x173: {  	[hbm4b:s18+s6] =	stream.linear.scatter [tilespmem:s3], [sflag:$0x1], $0x80, $0x38;
	[tilespmem:$0x1E600] =	vst v63  }
0x174: {  	_ =	swait.ge [sflag:s19], $0x80  }
0x175: {  	[sflag:s19] =	ssyncset.done $0x0  }
0x176: {  	[sflag:s19] =	ssyncadd.s32 $0xFFFFFF80  }
0x177: {  	s4 =	rddreg [dreg:$0xe]  }
0x178: {  	s1 =	rddreg [dreg:$0xd];
	s4 =	sadd.s32 $0x1, s4  }
0x179: {  	p0 =	sne.s32 s4, s1  }
.Ltmp3:
0x17a: {  	_ = 	snop;
	(pc) =	sbr.rel @p0 .LBB2_1-.Ltmp3, $1  }
0x17b: {  	_ =	sdelay $0x3  }
0x17c: {  	_ =	sfence.sel $0x180000  }
0x17d: {  	[bflag:$0x0] =	sbarrier.arrive $0xFFFF  }
0x17e: {  	_ =	strace $0x90000047  }
0x17f: {  	s0 =	stileid.u32;
	[bflag:$0x2] =	sbarrier.arrive $0xFFFF  }
0x180: {  	p0 =	sne.s32 s0, $0x0;
	s0 =	rddreg [dreg:$0x6]  }
0x181: {  	s0 =	sadd.s32 @!p0 $0x100000, s0  }
0x182: {  	[sflag:s0] =	ssyncadd.tile.s32 @!p0 $0x1;
	_ =	shalt  }
.Lfunc_end2:
_tile_overlayer_lowered:
.L_overlay_start_2:
0x183: {  	(tag) =	ssettag $0x2  }
0x184: {  	s0 =	rddreg [dreg:$0x0];
	s2 =	stileid.u32  }
0x185: {  	s1 =	rddreg [dreg:$0x1];
	p0 =	sne.s32 s2, $0x0  }
0x186: {  	s3 =	rddreg [dreg:$0x2];
	[bflag:$0x3] =	sbarrier.arrive $0xFFFF;
	s2 =	simm.s32 @!p0 $0x1C01  }
0x187: {  	[timem:s3], [sflag:s2] =	dma.local @!p0 [hbm:s0], s1  }
0x188: {  	s0 =	simm.s32 @!p0 $0x1  }
0x189: {  	_ =	swait.ge @!p0 [sflag:s0], s1  }
0x18a: {  	s1 =	ssub.s32 @!p0 $0x0, s1;
	[sflag:s0] =	ssyncset.done @!p0 $0x0  }
0x18b: {  	[sflag:s0] =	ssyncadd.s32 @!p0 s1  }
0x18c: {  	[bflag:$0x3] =	sbarrier.arrive $0xFFFF  }
0x18d: {  	_ =	shalt  }

</sc_bundles>
